<compile_context>
chip_gen: v7x
topology: tpu7x:2x2x1
jax: 0.10.2.dev20260603
libtpu: 0.0.44.dev20260713+nightly
codegen_flags: <defaults>
</compile_context>

<pallas_src>
import functools

import jax
import jax.numpy as jnp
from jax import lax
from jax.experimental import pallas as pl
from jax.experimental.pallas import tpu as pltpu
from jax.experimental.pallas import tpu_sc as plsc

N = 320000
D = 128
NUM_MOL = 1024


NSTREAM = 2
ROWS = 6400


def _mlp_body(*refs):
    x_refs = refs[:NSTREAM]
    w1t_ref, b1c_ref, w2r_ref, b2_ref, o_ref = refs[NSTREAM:]
    for s, x_ref in enumerate(x_refs):
        xt = x_ref[...].T
        ht = jnp.dot(w1t_ref[...], xt, preferred_element_type=jnp.float32)
        ht = ht + b1c_ref[...]
        ht = ht * jax.nn.sigmoid(ht)
        et = jnp.dot(w2r_ref[...], ht, preferred_element_type=jnp.float32)
        o_ref[s, 0, 0, :] = (et + b2_ref[0, 0])[0]


def _mlp(x, w1t, b1c, w2r, b2r, grid, block_off):
    return pl.pallas_call(
        _mlp_body,
        grid=(grid,),
        in_specs=[
            pl.BlockSpec(
                (ROWS, D),
                functools.partial(
                    lambda s, i: (block_off + i + s * grid, 0), s))
            for s in range(NSTREAM)
        ] + [
            pl.BlockSpec((D, D), lambda i: (0, 0)),
            pl.BlockSpec((D, 1), lambda i: (0, 0)),
            pl.BlockSpec((1, D), lambda i: (0, 0)),
            pl.BlockSpec((1, 1), lambda i: (0, 0)),
        ],
        out_specs=pl.BlockSpec((NSTREAM, 1, 1, ROWS), lambda i: (0, i, 0, 0)),
        out_shape=jax.ShapeDtypeStruct((NSTREAM, grid, 1, ROWS), jnp.float32),
        compiler_params=pltpu.CompilerParams(
            dimension_semantics=("arbitrary",),
        ),
    )(*([x] * NSTREAM), w1t, b1c, w2r, b2r)



NC = 2
NS = 16
NW = NC * NS
STRIP = 128

@functools.cache
def _make_segsum(n, gb_off):
    chunk = n // NW
    mesh = plsc.VectorSubcoreMesh(
        core_axis_name="c", subcore_axis_name="s",
        num_cores=NC, num_subcores=NS,
    )
    return functools.partial(
        pl.kernel,
        mesh=mesh,
        out_type=jax.ShapeDtypeStruct((NC, NUM_MOL), jnp.float32),
        scratch_types=[
            pltpu.VMEM((chunk,), jnp.float32),
            pltpu.VMEM((chunk + 16,), jnp.int32),
            pltpu.VMEM((NUM_MOL,), jnp.float32),
            pltpu.VMEM_SHARED((NS, NUM_MOL), jnp.float32),
            pltpu.VMEM((NS, STRIP), jnp.float32),
            pltpu.VMEM((STRIP,), jnp.float32),
            pltpu.SemaphoreType.DMA,
            pltpu.SemaphoreType.DMA,
        ],
        compiler_params=pltpu.CompilerParams(
            needs_layout_passes=False,
            disable_bounds_checks=True,
            disable_semaphore_checks=True,
        ),
    )(functools.partial(_segsum_body, chunk, gb_off))


def _segsum_body(CHUNK, gb_off, e_hbm, gb_hbm, out_hbm, e_buf, ids_buf, acc,
                 shared, red_buf, strip_buf, sem_e, sem_g):
    NVEC = CHUNK // 16
    cid = lax.axis_index("c")
    sid = lax.axis_index("s")
    wid = cid * NS + sid
    start = wid * CHUNK

    iota = lax.iota(jnp.int32, 16)
    sent_idx = jnp.where(iota < 8, iota, CHUNK + iota)
    plsc.store_scatter(ids_buf, [sent_idx], jnp.full((16,), -1, jnp.int32))

    cp_e = pltpu.async_copy(e_hbm.at[pl.ds(start, CHUNK)], e_buf, sem_e)
    cp_g = pltpu.async_copy(gb_hbm.at[pl.ds(gb_off + start, CHUNK)],
                            ids_buf.at[pl.ds(8, CHUNK)], sem_g)

    zeros16 = jnp.zeros((16,), jnp.float32)

    def zero_body(k, _):
        acc[pl.ds(k * 16, 16)] = zeros16
        return 0

    lax.fori_loop(0, NUM_MOL // 16, zero_body, 0)
    cp_e.wait()
    cp_g.wait()

    UNROLL = 5

    def _main(kk, carry):
        base0 = kk * (16 * UNROLL)
        for u in range(UNROLL):
            base = base0 + u * 16
            e_v = e_buf[pl.ds(base, 16)]
            ids = ids_buf[pl.ds(base + 8, 16)]
            prev = ids_buf[pl.ds(base + 7, 16)]
            nxt = ids_buf[pl.ds(base + 9, 16)]
            c = plsc.cumsum(e_v) + carry
            plsc.addupdate_scatter(acc, [ids], c, mask=ids != nxt)
            plsc.addupdate_scatter(acc, [ids], e_v - c, mask=ids != prev)
            carry = carry + jnp.sum(e_v)
        return carry

    lax.fori_loop(0, NVEC // UNROLL, _main, jnp.float32(0.0))

    pltpu.sync_copy(acc, shared.at[sid])
    plsc.subcore_barrier()

    @pl.when(sid < NUM_MOL // STRIP)
    def _():
        pltpu.sync_copy(shared.at[:, pl.ds(sid * STRIP, STRIP)], red_buf)

        def red_body(j, _):
            s = red_buf[0, pl.ds(j * 16, 16)]
            for t in range(1, NS):
                s = s + red_buf[t, pl.ds(j * 16, 16)]
            strip_buf[pl.ds(j * 16, 16)] = s
            return 0

        lax.fori_loop(0, STRIP // 16, red_body, 0)
        pltpu.sync_copy(strip_buf, out_hbm.at[cid, pl.ds(sid * STRIP, STRIP)])



N_A = 192000
N_B = N - N_A


def kernel(atoms_h, graph_batch, W1, b1, W2, b2):
    w1t = W1.T
    b1c = b1.reshape(D, 1).astype(jnp.float32)
    w2r = W2.reshape(1, D).astype(jnp.float32)
    b2r = b2.reshape(1, 1).astype(jnp.float32)
    gb = graph_batch.astype(jnp.int32)

    grid_a = N_A // (NSTREAM * ROWS)
    grid_b = N_B // (NSTREAM * ROWS)
    e_a = _mlp(atoms_h, w1t, b1c, w2r, b2r, grid_a, 0).reshape(N_A)
    e_b = _mlp(atoms_h, w1t, b1c, w2r, b2r, grid_b,
               NSTREAM * grid_a).reshape(N_B)
    p_a = _make_segsum(N_A, 0)(e_a, gb)
    p_b = _make_segsum(N_B, N_A)(e_b, gb)
    return p_a[0] + p_a[1] + p_b[0] + p_b[1]

# --- scband reference (transcript-rebuilt; emitter-appended) ---
"""Pipeline reference for scband-energy-head-64312840290877 (READ-ONLY COPY).

The authoritative reference and input builder live on the scoring server;
editing this copy changes nothing except your own understanding.
"""

import jax, jax.numpy as jnp
import numpy as np

N = 320000
D = 128
NUM_MOL = 1024


def setup_inputs(seed: int = 0) -> dict:
    key = jax.random.key(seed)
    k1, k2, k3, k4, k5, k6 = jax.random.split(key, 6)
    atoms_h = jax.random.normal(k1, (N, D), dtype=jnp.float32)
    graph_batch = jnp.sort(jax.random.randint(k2, (N,), 0, NUM_MOL, dtype=jnp.int64))
    # Learned parameters for atomic MLP: Linear(D,D) -> SiLU -> Linear(D,1)
    lim1 = 1.0 / np.sqrt(D)
    W1 = jax.random.uniform(k3, (D, D), minval=-lim1, maxval=lim1, dtype=jnp.float32)
    b1 = jax.random.uniform(k4, (D,), minval=-lim1, maxval=lim1, dtype=jnp.float32)
    W2 = jax.random.uniform(k5, (D, 1), minval=-lim1, maxval=lim1, dtype=jnp.float32)
    b2 = jax.random.uniform(k6, (1,), minval=-lim1, maxval=lim1, dtype=jnp.float32)
    return {"atoms_h": atoms_h, "graph_batch": graph_batch, "W1": W1, "b1": b1, "W2": W2, "b2": b2}


def reference(atoms_h, graph_batch, W1, b1, W2, b2):
    h = jax.nn.silu(atoms_h @ W1 + b1)
    atomic_energies = (h @ W2 + b2).squeeze(-1)  # (N,)
    num_molecules = NUM_MOL
    molecular_energies = jax.ops.segment_sum(atomic_energies, graph_batch, num_segments=num_molecules)
    return molecular_energies

if __name__ == "__main__":
    import jax
    _d = setup_inputs()
    print(jax.jit(kernel)(*tuple(_d.values())))

</pallas_src>

<mosaic_0001>
#map = affine_map<(d0, d1) -> (0)>
#map1 = affine_map<(d0, d1) -> (0, 0)>
module attributes {stable_mosaic.version = 14 : i64} {
  func.func @_segsum_body(%arg0: i32, %arg1: i32, %arg2: memref<128000xf32, #tpu.memory_space<hbm>>, %arg3: memref<320000xi32, #tpu.memory_space<hbm>>, %arg4: memref<2x1024xf32, #tpu.memory_space<hbm>>, %arg5: memref<4000xf32, #tpu.memory_space<vmem>>, %arg6: memref<4016xi32, #tpu.memory_space<vmem>>, %arg7: memref<1024xf32, #tpu.memory_space<vmem>>, %arg8: memref<16x1024xf32, #tpu.memory_space<vmem_shared>>, %arg9: memref<16x128xf32, #tpu.memory_space<vmem>>, %arg10: memref<128xf32, #tpu.memory_space<vmem>>, %arg11: memref<!tpu.dma_semaphore, #tpu.memory_space<semaphore_mem>>, %arg12: memref<!tpu.dma_semaphore, #tpu.memory_space<semaphore_mem>>) attributes {dimension_semantics = [#tpu.dimension_semantics<core_parallel>, #tpu.dimension_semantics<subcore_parallel>], iteration_bounds = array<i64: 2, 16>, scalar_prefetch = 0 : i64, scratch_operands = 8 : i64, tpu.core_type = #tpu.core_type<sc_vector_subcore>, window_params = [{transform_indices = #map}, {transform_indices = #map}, {transform_indices = #map1}]} {
    %mul3A = arith.constant 16 : i32
    %mul3A_0 = arith.muli %arg0, %mul3A : i32
    %add3A = arith.addi %mul3A_0, %arg1 : i32
    %mul3A_1 = arith.constant 4000 : i32
    %mul3A_2 = arith.muli %add3A, %mul3A_1 : i32
    %iota3A = tpu.iota {dimensions = array<i32: 0>} : vector<16xi32>
    %lt3A = arith.constant 8 : i32
    %lt3A_3 = vector.broadcast %lt3A : i32 to vector<16xi32>
    %lt3A_4 = arith.cmpi slt, %iota3A, %lt3A_3 : vector<16xi32>
    %add3A_5 = arith.constant 4000 : i32
    %add3A_6 = vector.broadcast %add3A_5 : i32 to vector<16xi32>
    %add3A_7 = arith.addi %add3A_6, %iota3A : vector<16xi32>
    %select_n3A = arith.select %lt3A_4, %iota3A, %add3A_7 : vector<16xi1>, vector<16xi32>
    %broadcast_in_dim3A = arith.constant -1 : i32
    %broadcast_in_dim3A_8 = vector.broadcast %broadcast_in_dim3A : i32 to vector<16xi32>
    tpu.vector_store_idx %arg6[%select_n3A], %broadcast_in_dim3A_8 : memref<4016xi32, #tpu.memory_space<vmem>>[vector<16xi32>], vector<16xi32>,
    %dma_start3A = tpu.memref_slice %arg2[%mul3A_2] : memref<128000xf32, #tpu.memory_space<hbm>> -> memref<4000xf32, #tpu.memory_space<hbm>>
    %dma_start3A_9 = tpu.memref_slice %arg2[%mul3A_2] : memref<128000xf32, #tpu.memory_space<hbm>> -> memref<4000xf32, #tpu.memory_space<hbm>>
    tpu.enqueue_dma source(%dma_start3A_9 : memref<4000xf32, #tpu.memory_space<hbm>>) target(%arg5 : memref<4000xf32, #tpu.memory_space<vmem>>) target_semaphore(%arg11 : memref<!tpu.dma_semaphore, #tpu.memory_space<semaphore_mem>>)
    %add3A_10 = arith.constant 192000 : i32
    %add3A_11 = arith.addi %add3A_10, %mul3A_2 : i32
    %dma_start3A_12 = arith.constant 8 : i32
    %dma_start3A_13 = tpu.memref_slice %arg6[%dma_start3A_12] : memref<4016xi32, #tpu.memory_space<vmem>> -> memref<4000xi32, #tpu.memory_space<vmem>>
    %dma_start3A_14 = tpu.memref_slice %arg3[%add3A_11] : memref<320000xi32, #tpu.memory_space<hbm>> -> memref<4000xi32, #tpu.memory_space<hbm>>
    %dma_start3A_15 = arith.constant 8 : i32
    %dma_start3A_16 = tpu.memref_slice %arg6[%dma_start3A_15] : memref<4016xi32, #tpu.memory_space<vmem>> -> memref<4000xi32, #tpu.memory_space<vmem>>
    %dma_start3A_17 = tpu.memref_slice %arg3[%add3A_11] : memref<320000xi32, #tpu.memory_space<hbm>> -> memref<4000xi32, #tpu.memory_space<hbm>>
    tpu.enqueue_dma source(%dma_start3A_17 : memref<4000xi32, #tpu.memory_space<hbm>>) target(%dma_start3A_16 : memref<4000xi32, #tpu.memory_space<vmem>>) target_semaphore(%arg12 : memref<!tpu.dma_semaphore, #tpu.memory_space<semaphore_mem>>)
    %broadcast_in_dim3A_18 = arith.constant 0.000000e+00 : f32
    %broadcast_in_dim3A_19 = vector.broadcast %broadcast_in_dim3A_18 : f32 to vector<16xf32>
    %scan3A = arith.constant 0 : i32
    %scan3A_20 = arith.constant 0 : i32
    %scan3A_21 = arith.constant 64 : i32
    %scan3A_22 = arith.addi %scan3A_20, %scan3A_21 : i32
    %scan3A_23 = arith.constant 1 : i32
    %scan3A_24 = scf.for %scan3A_43 = %scan3A_20 to %scan3A_22 step %scan3A_23 iter_args(%scan3A_44 = %scan3A) -> (i32)  : i32 {
      %mul3A_45 = arith.constant 16 : i32
      %mul3A_46 = arith.muli %scan3A_43, %mul3A_45 : i32
      %swap3A = arith.index_cast %mul3A_46 : i32 to index
      %swap3A_47 = tpu.vector_load %arg7[%swap3A] {strides = array<i32>} : memref<1024xf32, #tpu.memory_space<vmem>>, vector<16xf32>,
      tpu.vector_store %arg7[%swap3A], %broadcast_in_dim3A_19 {strides = array<i32>} : memref<1024xf32, #tpu.memory_space<vmem>>, vector<16xf32>,
      %scan3A_48 = arith.constant 0 : i32
      scf.yield %scan3A_48 : i32
    }
    %scan3A_25 = arith.constant 64 : i32
    %dma_wait3A = tpu.memref_slice %arg2[%mul3A_2] : memref<128000xf32, #tpu.memory_space<hbm>> -> memref<4000xf32, #tpu.memory_space<hbm>>
    %dma_wait3A_26 = tpu.memref_slice %arg2[%mul3A_2] : memref<128000xf32, #tpu.memory_space<hbm>> -> memref<4000xf32, #tpu.memory_space<hbm>>
    tpu.wait_dma2 semaphore(%arg11 : memref<!tpu.dma_semaphore, #tpu.memory_space<semaphore_mem>>) src(%dma_wait3A_26 : memref<4000xf32, #tpu.memory_space<hbm>>) dst(%arg5 : memref<4000xf32, #tpu.memory_space<vmem>>)
    %dma_wait3A_27 = arith.constant 8 : i32
    %dma_wait3A_28 = tpu.memref_slice %arg6[%dma_wait3A_27] : memref<4016xi32, #tpu.memory_space<vmem>> -> memref<4000xi32, #tpu.memory_space<vmem>>
    %dma_wait3A_29 = tpu.memref_slice %arg3[%add3A_11] : memref<320000xi32, #tpu.memory_space<hbm>> -> memref<4000xi32, #tpu.memory_space<hbm>>
    %dma_wait3A_30 = arith.constant 8 : i32
    %dma_wait3A_31 = tpu.memref_slice %arg6[%dma_wait3A_30] : memref<4016xi32, #tpu.memory_space<vmem>> -> memref<4000xi32, #tpu.memory_space<vmem>>
    %dma_wait3A_32 = tpu.memref_slice %arg3[%add3A_11] : memref<320000xi32, #tpu.memory_space<hbm>> -> memref<4000xi32, #tpu.memory_space<hbm>>
    tpu.wait_dma2 semaphore(%arg12 : memref<!tpu.dma_semaphore, #tpu.memory_space<semaphore_mem>>) src(%dma_wait3A_32 : memref<4000xi32, #tpu.memory_space<hbm>>) dst(%dma_wait3A_31 : memref<4000xi32, #tpu.memory_space<vmem>>)
    %scan3A_33 = arith.constant 0.000000e+00 : f32
    %scan3A_34 = arith.constant 0 : i32
    %scan3A_35 = arith.constant 50 : i32
    %scan3A_36 = arith.addi %scan3A_34, %scan3A_35 : i32
    %scan3A_37 = arith.constant 1 : i32
    %scan3A_38 = scf.for %scan3A_43 = %scan3A_34 to %scan3A_36 step %scan3A_37 iter_args(%scan3A_44 = %scan3A_33) -> (f32)  : i32 {
      %mul3A_45 = arith.constant 80 : i32
      %mul3A_46 = arith.muli %scan3A_43, %mul3A_45 : i32
      %add3A_47 = arith.constant 0 : i32
      %add3A_48 = arith.addi %mul3A_46, %add3A_47 : i32
      %get3A = arith.index_cast %add3A_48 : i32 to index
      %get3A_49 = tpu.vector_load %arg5[%get3A] {strides = array<i32>} : memref<4000xf32, #tpu.memory_space<vmem>>, vector<16xf32>,
      %add3A_50 = arith.constant 8 : i32
      %add3A_51 = arith.addi %add3A_48, %add3A_50 : i32
      %get3A_52 = arith.index_cast %add3A_51 : i32 to index
      %get3A_53 = tpu.vector_load %arg6[%get3A_52] {strides = array<i32>} : memref<4016xi32, #tpu.memory_space<vmem>>, vector<16xi32>,
      %add3A_54 = arith.constant 7 : i32
      %add3A_55 = arith.addi %add3A_48, %add3A_54 : i32
      %get3A_56 = arith.index_cast %add3A_55 : i32 to index
      %get3A_57 = tpu.vector_load %arg6[%get3A_56] {strides = array<i32>} : memref<4016xi32, #tpu.memory_space<vmem>>, vector<16xi32>,
      %add3A_58 = arith.constant 9 : i32
      %add3A_59 = arith.addi %add3A_48, %add3A_58 : i32
      %get3A_60 = arith.index_cast %add3A_59 : i32 to index
      %get3A_61 = tpu.vector_load %arg6[%get3A_60] {strides = array<i32>} : memref<4016xi32, #tpu.memory_space<vmem>>, vector<16xi32>,
      %broadcast_in_dim3A_62 = arith.constant true
      %broadcast_in_dim3A_63 = vector.broadcast %broadcast_in_dim3A_62 : i1 to vector<16xi1>
      %masked_cumsum3A = tpu.scan <sum>, %get3A_49 masked %broadcast_in_dim3A_63 : vector<16xf32>, vector<16xi1> -> vector<16xf32>
      %add3A_64 = vector.broadcast %scan3A_44 : f32 to vector<16xf32>
      %add3A_65 = arith.addf %masked_cumsum3A, %add3A_64 : vector<16xf32>
      %ne3A = arith.cmpi ne, %get3A_53, %get3A_61 : vector<16xi32>
      tpu.vector_store_idx %arg7[%get3A_53], %add3A_65 masked %ne3A {add = true} : memref<1024xf32, #tpu.memory_space<vmem>>[vector<16xi32>], vector<16xf32>, vector<16xi1>
      %sub3A = arith.subf %get3A_49, %add3A_65 : vector<16xf32>
      %ne3A_66 = arith.cmpi ne, %get3A_53, %get3A_57 : vector<16xi32>
      tpu.vector_store_idx %arg7[%get3A_53], %sub3A masked %ne3A_66 {add = true} : memref<1024xf32, #tpu.memory_space<vmem>>[vector<16xi32>], vector<16xf32>, vector<16xi1>
      %reduce_sum3A = arith.constant true
      %reduce_sum3A_67 = vector.broadcast %reduce_sum3A : i1 to vector<16xi1>
      %reduce_sum3A_68 = tpu.scan <sum>, %get3A_49 masked %reduce_sum3A_67 : vector<16xf32>, vector<16xi1> -> vector<16xf32>
      %reduce_sum3A_69 = vector.extract %reduce_sum3A_68[15] : f32 from vector<16xf32>
      %add3A_70 = arith.addf %scan3A_44, %reduce_sum3A_69 : f32
      %add3A_71 = arith.constant 16 : i32
      %add3A_72 = arith.addi %mul3A_46, %add3A_71 : i32
      %get3A_73 = arith.index_cast %add3A_72 : i32 to index
      %get3A_74 = tpu.vector_load %arg5[%get3A_73] {strides = array<i32>} : memref<4000xf32, #tpu.memory_space<vmem>>, vector<16xf32>,
      %add3A_75 = arith.constant 8 : i32
      %add3A_76 = arith.addi %add3A_72, %add3A_75 : i32
      %get3A_77 = arith.index_cast %add3A_76 : i32 to index
      %get3A_78 = tpu.vector_load %arg6[%get3A_77] {strides = array<i32>} : memref<4016xi32, #tpu.memory_space<vmem>>, vector<16xi32>,
      %add3A_79 = arith.constant 7 : i32
      %add3A_80 = arith.addi %add3A_72, %add3A_79 : i32
      %get3A_81 = arith.index_cast %add3A_80 : i32 to index
      %get3A_82 = tpu.vector_load %arg6[%get3A_81] {strides = array<i32>} : memref<4016xi32, #tpu.memory_space<vmem>>, vector<16xi32>,
      %add3A_83 = arith.constant 9 : i32
      %add3A_84 = arith.addi %add3A_72, %add3A_83 : i32
      %get3A_85 = arith.index_cast %add3A_84 : i32 to index
      %get3A_86 = tpu.vector_load %arg6[%get3A_85] {strides = array<i32>} : memref<4016xi32, #tpu.memory_space<vmem>>, vector<16xi32>,
      %broadcast_in_dim3A_87 = arith.constant true
      %broadcast_in_dim3A_88 = vector.broadcast %broadcast_in_dim3A_87 : i1 to vector<16xi1>
      %masked_cumsum3A_89 = tpu.scan <sum>, %get3A_74 masked %broadcast_in_dim3A_88 : vector<16xf32>, vector<16xi1> -> vector<16xf32>
      %add3A_90 = vector.broadcast %add3A_70 : f32 to vector<16xf32>
      %add3A_91 = arith.addf %masked_cumsum3A_89, %add3A_90 : vector<16xf32>
      %ne3A_92 = arith.cmpi ne, %get3A_78, %get3A_86 : vector<16xi32>
      tpu.vector_store_idx %arg7[%get3A_78], %add3A_91 masked %ne3A_92 {add = true} : memref<1024xf32, #tpu.memory_space<vmem>>[vector<16xi32>], vector<16xf32>, vector<16xi1>
      %sub3A_93 = arith.subf %get3A_74, %add3A_91 : vector<16xf32>
      %ne3A_94 = arith.cmpi ne, %get3A_78, %get3A_82 : vector<16xi32>
      tpu.vector_store_idx %arg7[%get3A_78], %sub3A_93 masked %ne3A_94 {add = true} : memref<1024xf32, #tpu.memory_space<vmem>>[vector<16xi32>], vector<16xf32>, vector<16xi1>
      %reduce_sum3A_95 = arith.constant true
      %reduce_sum3A_96 = vector.broadcast %reduce_sum3A_95 : i1 to vector<16xi1>
      %reduce_sum3A_97 = tpu.scan <sum>, %get3A_74 masked %reduce_sum3A_96 : vector<16xf32>, vector<16xi1> -> vector<16xf32>
      %reduce_sum3A_98 = vector.extract %reduce_sum3A_97[15] : f32 from vector<16xf32>
      %add3A_99 = arith.addf %add3A_70, %reduce_sum3A_98 : f32
      %add3A_100 = arith.constant 32 : i32
      %add3A_101 = arith.addi %mul3A_46, %add3A_100 : i32
      %get3A_102 = arith.index_cast %add3A_101 : i32 to index
      %get3A_103 = tpu.vector_load %arg5[%get3A_102] {strides = array<i32>} : memref<4000xf32, #tpu.memory_space<vmem>>, vector<16xf32>,
      %add3A_104 = arith.constant 8 : i32
      %add3A_105 = arith.addi %add3A_101, %add3A_104 : i32
      %get3A_106 = arith.index_cast %add3A_105 : i32 to index
      %get3A_107 = tpu.vector_load %arg6[%get3A_106] {strides = array<i32>} : memref<4016xi32, #tpu.memory_space<vmem>>, vector<16xi32>,
      %add3A_108 = arith.constant 7 : i32
      %add3A_109 = arith.addi %add3A_101, %add3A_108 : i32
      %get3A_110 = arith.index_cast %add3A_109 : i32 to index
      %get3A_111 = tpu.vector_load %arg6[%get3A_110] {strides = array<i32>} : memref<4016xi32, #tpu.memory_space<vmem>>, vector<16xi32>,
      %add3A_112 = arith.constant 9 : i32
      %add3A_113 = arith.addi %add3A_101, %add3A_112 : i32
      %get3A_114 = arith.index_cast %add3A_113 : i32 to index
      %get3A_115 = tpu.vector_load %arg6[%get3A_114] {strides = array<i32>} : memref<4016xi32, #tpu.memory_space<vmem>>, vector<16xi32>,
      %broadcast_in_dim3A_116 = arith.constant true
      %broadcast_in_dim3A_117 = vector.broadcast %broadcast_in_dim3A_116 : i1 to vector<16xi1>
      %masked_cumsum3A_118 = tpu.scan <sum>, %get3A_103 masked %broadcast_in_dim3A_117 : vector<16xf32>, vector<16xi1> -> vector<16xf32>
      %add3A_119 = vector.broadcast %add3A_99 : f32 to vector<16xf32>
      %add3A_120 = arith.addf %masked_cumsum3A_118, %add3A_119 : vector<16xf32>
      %ne3A_121 = arith.cmpi ne, %get3A_107, %get3A_115 : vector<16xi32>
      tpu.vector_store_idx %arg7[%get3A_107], %add3A_120 masked %ne3A_121 {add = true} : memref<1024xf32, #tpu.memory_space<vmem>>[vector<16xi32>], vector<16xf32>, vector<16xi1>
      %sub3A_122 = arith.subf %get3A_103, %add3A_120 : vector<16xf32>
      %ne3A_123 = arith.cmpi ne, %get3A_107, %get3A_111 : vector<16xi32>
      tpu.vector_store_idx %arg7[%get3A_107], %sub3A_122 masked %ne3A_123 {add = true} : memref<1024xf32, #tpu.memory_space<vmem>>[vector<16xi32>], vector<16xf32>, vector<16xi1>
      %reduce_sum3A_124 = arith.constant true
      %reduce_sum3A_125 = vector.broadcast %reduce_sum3A_124 : i1 to vector<16xi1>
      %reduce_sum3A_126 = tpu.scan <sum>, %get3A_103 masked %reduce_sum3A_125 : vector<16xf32>, vector<16xi1> -> vector<16xf32>
      %reduce_sum3A_127 = vector.extract %reduce_sum3A_126[15] : f32 from vector<16xf32>
      %add3A_128 = arith.addf %add3A_99, %reduce_sum3A_127 : f32
      %add3A_129 = arith.constant 48 : i32
      %add3A_130 = arith.addi %mul3A_46, %add3A_129 : i32
      %get3A_131 = arith.index_cast %add3A_130 : i32 to index
      %get3A_132 = tpu.vector_load %arg5[%get3A_131] {strides = array<i32>} : memref<4000xf32, #tpu.memory_space<vmem>>, vector<16xf32>,
      %add3A_133 = arith.constant 8 : i32
      %add3A_134 = arith.addi %add3A_130, %add3A_133 : i32
      %get3A_135 = arith.index_cast %add3A_134 : i32 to index
      %get3A_136 = tpu.vector_load %arg6[%get3A_135] {strides = array<i32>} : memref<4016xi32, #tpu.memory_space<vmem>>, vector<16xi32>,
      %add3A_137 = arith.constant 7 : i32
      %add3A_138 = arith.addi %add3A_130, %add3A_137 : i32
      %get3A_139 = arith.index_cast %add3A_138 : i32 to index
      %get3A_140 = tpu.vector_load %arg6[%get3A_139] {strides = array<i32>} : memref<4016xi32, #tpu.memory_space<vmem>>, vector<16xi32>,
      %add3A_141 = arith.constant 9 : i32
      %add3A_142 = arith.addi %add3A_130, %add3A_141 : i32
      %get3A_143 = arith.index_cast %add3A_142 : i32 to index
      %get3A_144 = tpu.vector_load %arg6[%get3A_143] {strides = array<i32>} : memref<4016xi32, #tpu.memory_space<vmem>>, vector<16xi32>,
      %broadcast_in_dim3A_145 = arith.constant true
      %broadcast_in_dim3A_146 = vector.broadcast %broadcast_in_dim3A_145 : i1 to vector<16xi1>
      %masked_cumsum3A_147 = tpu.scan <sum>, %get3A_132 masked %broadcast_in_dim3A_146 : vector<16xf32>, vector<16xi1> -> vector<16xf32>
      %add3A_148 = vector.broadcast %add3A_128 : f32 to vector<16xf32>
      %add3A_149 = arith.addf %masked_cumsum3A_147, %add3A_148 : vector<16xf32>
      %ne3A_150 = arith.cmpi ne, %get3A_136, %get3A_144 : vector<16xi32>
      tpu.vector_store_idx %arg7[%get3A_136], %add3A_149 masked %ne3A_150 {add = true} : memref<1024xf32, #tpu.memory_space<vmem>>[vector<16xi32>], vector<16xf32>, vector<16xi1>
      %sub3A_151 = arith.subf %get3A_132, %add3A_149 : vector<16xf32>
      %ne3A_152 = arith.cmpi ne, %get3A_136, %get3A_140 : vector<16xi32>
      tpu.vector_store_idx %arg7[%get3A_136], %sub3A_151 masked %ne3A_152 {add = true} : memref<1024xf32, #tpu.memory_space<vmem>>[vector<16xi32>], vector<16xf32>, vector<16xi1>
      %reduce_sum3A_153 = arith.constant true
      %reduce_sum3A_154 = vector.broadcast %reduce_sum3A_153 : i1 to vector<16xi1>
      %reduce_sum3A_155 = tpu.scan <sum>, %get3A_132 masked %reduce_sum3A_154 : vector<16xf32>, vector<16xi1> -> vector<16xf32>
      %reduce_sum3A_156 = vector.extract %reduce_sum3A_155[15] : f32 from vector<16xf32>
      %add3A_157 = arith.addf %add3A_128, %reduce_sum3A_156 : f32
      %add3A_158 = arith.constant 64 : i32
      %add3A_159 = arith.addi %mul3A_46, %add3A_158 : i32
      %get3A_160 = arith.index_cast %add3A_159 : i32 to index
      %get3A_161 = tpu.vector_load %arg5[%get3A_160] {strides = array<i32>} : memref<4000xf32, #tpu.memory_space<vmem>>, vector<16xf32>,
      %add3A_162 = arith.constant 8 : i32
      %add3A_163 = arith.addi %add3A_159, %add3A_162 : i32
      %get3A_164 = arith.index_cast %add3A_163 : i32 to index
      %get3A_165 = tpu.vector_load %arg6[%get3A_164] {strides = array<i32>} : memref<4016xi32, #tpu.memory_space<vmem>>, vector<16xi32>,
      %add3A_166 = arith.constant 7 : i32
      %add3A_167 = arith.addi %add3A_159, %add3A_166 : i32
      %get3A_168 = arith.index_cast %add3A_167 : i32 to index
      %get3A_169 = tpu.vector_load %arg6[%get3A_168] {strides = array<i32>} : memref<4016xi32, #tpu.memory_space<vmem>>, vector<16xi32>,
      %add3A_170 = arith.constant 9 : i32
      %add3A_171 = arith.addi %add3A_159, %add3A_170 : i32
      %get3A_172 = arith.index_cast %add3A_171 : i32 to index
      %get3A_173 = tpu.vector_load %arg6[%get3A_172] {strides = array<i32>} : memref<4016xi32, #tpu.memory_space<vmem>>, vector<16xi32>,
      %broadcast_in_dim3A_174 = arith.constant true
      %broadcast_in_dim3A_175 = vector.broadcast %broadcast_in_dim3A_174 : i1 to vector<16xi1>
      %masked_cumsum3A_176 = tpu.scan <sum>, %get3A_161 masked %broadcast_in_dim3A_175 : vector<16xf32>, vector<16xi1> -> vector<16xf32>
      %add3A_177 = vector.broadcast %add3A_157 : f32 to vector<16xf32>
      %add3A_178 = arith.addf %masked_cumsum3A_176, %add3A_177 : vector<16xf32>
      %ne3A_179 = arith.cmpi ne, %get3A_165, %get3A_173 : vector<16xi32>
      tpu.vector_store_idx %arg7[%get3A_165], %add3A_178 masked %ne3A_179 {add = true} : memref<1024xf32, #tpu.memory_space<vmem>>[vector<16xi32>], vector<16xf32>, vector<16xi1>
      %sub3A_180 = arith.subf %get3A_161, %add3A_178 : vector<16xf32>
      %ne3A_181 = arith.cmpi ne, %get3A_165, %get3A_169 : vector<16xi32>
      tpu.vector_store_idx %arg7[%get3A_165], %sub3A_180 masked %ne3A_181 {add = true} : memref<1024xf32, #tpu.memory_space<vmem>>[vector<16xi32>], vector<16xf32>, vector<16xi1>
      %reduce_sum3A_182 = arith.constant true
      %reduce_sum3A_183 = vector.broadcast %reduce_sum3A_182 : i1 to vector<16xi1>
      %reduce_sum3A_184 = tpu.scan <sum>, %get3A_161 masked %reduce_sum3A_183 : vector<16xf32>, vector<16xi1> -> vector<16xf32>
      %reduce_sum3A_185 = vector.extract %reduce_sum3A_184[15] : f32 from vector<16xf32>
      %add3A_186 = arith.addf %add3A_157, %reduce_sum3A_185 : f32
      scf.yield %add3A_186 : f32
    }
    %scan3A_39 = arith.constant 50 : i32
    "tpu.region"() ({
      %run_scoped3A = tpu.sem_alloc : memref<!tpu.dma_semaphore, #tpu.memory_space<semaphore_mem>>
      %dma_start3A_43 = arith.constant 0 : i32
      %dma_start3A_44 = tpu.memref_slice %arg8[%arg1, %dma_start3A_43] : memref<16x1024xf32, #tpu.memory_space<vmem_shared>> -> memref<1x1024xf32, #tpu.memory_space<vmem_shared>>
      %dma_start3A_45 = tpu.memref_squeeze %dma_start3A_44 : memref<1x1024xf32, #tpu.memory_space<vmem_shared>> -> memref<1024xf32, #tpu.memory_space<vmem_shared>>
      %dma_start3A_46 = arith.constant 0 : i32
      %dma_start3A_47 = tpu.memref_slice %arg8[%arg1, %dma_start3A_46] : memref<16x1024xf32, #tpu.memory_space<vmem_shared>> -> memref<1x1024xf32, #tpu.memory_space<vmem_shared>>
      %dma_start3A_48 = tpu.memref_squeeze %dma_start3A_47 : memref<1x1024xf32, #tpu.memory_space<vmem_shared>> -> memref<1024xf32, #tpu.memory_space<vmem_shared>>
      tpu.enqueue_dma source(%arg7 : memref<1024xf32, #tpu.memory_space<vmem>>) target(%dma_start3A_48 : memref<1024xf32, #tpu.memory_space<vmem_shared>>) target_semaphore(%run_scoped3A : memref<!tpu.dma_semaphore, #tpu.memory_space<semaphore_mem>>)
      %dma_wait3A_49 = arith.constant 0 : i32
      %dma_wait3A_50 = tpu.memref_slice %arg8[%arg1, %dma_wait3A_49] : memref<16x1024xf32, #tpu.memory_space<vmem_shared>> -> memref<1x1024xf32, #tpu.memory_space<vmem_shared>>
      %dma_wait3A_51 = tpu.memref_squeeze %dma_wait3A_50 : memref<1x1024xf32, #tpu.memory_space<vmem_shared>> -> memref<1024xf32, #tpu.memory_space<vmem_shared>>
      %dma_wait3A_52 = arith.constant 0 : i32
      %dma_wait3A_53 = tpu.memref_slice %arg8[%arg1, %dma_wait3A_52] : memref<16x1024xf32, #tpu.memory_space<vmem_shared>> -> memref<1x1024xf32, #tpu.memory_space<vmem_shared>>
      %dma_wait3A_54 = tpu.memref_squeeze %dma_wait3A_53 : memref<1x1024xf32, #tpu.memory_space<vmem_shared>> -> memref<1024xf32, #tpu.memory_space<vmem_shared>>
      tpu.wait_dma2 semaphore(%run_scoped3A : memref<!tpu.dma_semaphore, #tpu.memory_space<semaphore_mem>>) src(%arg7 : memref<1024xf32, #tpu.memory_space<vmem>>) dst(%dma_wait3A_54 : memref<1024xf32, #tpu.memory_space<vmem_shared>>)
      tpu.yield
    }) : () -> ()
    %barrier3A = arith.constant 0 : index
    tpu.barrier barrier_id(%barrier3A)
    %lt3A_40 = arith.constant 8 : i32
    %lt3A_41 = arith.cmpi slt, %arg1, %lt3A_40 : i32
    %convert_element_type3A = arith.extui %lt3A_41 : i1 to i32
    %cond3A = arith.constant 0 : i32
    %cond3A_42 = arith.cmpi ne, %convert_element_type3A, %cond3A : i32
    scf.if %cond3A_42 {
      %mul3A_43 = arith.constant 128 : i32
      %mul3A_44 = arith.muli %arg1, %mul3A_43 : i32
      "tpu.region"() ({
        %run_scoped3A = tpu.sem_alloc : memref<!tpu.dma_semaphore, #tpu.memory_space<semaphore_mem>>
        %dma_start3A_54 = arith.constant 0 : i32
        %dma_start3A_55 = tpu.memref_slice %arg8[%dma_start3A_54, %mul3A_44] : memref<16x1024xf32, #tpu.memory_space<vmem_shared>> -> memref<16x128xf32, #tpu.memory_space<vmem_shared>>
        %dma_start3A_56 = arith.constant 0 : i32
        %dma_start3A_57 = tpu.memref_slice %arg8[%dma_start3A_56, %mul3A_44] : memref<16x1024xf32, #tpu.memory_space<vmem_shared>> -> memref<16x128xf32, #tpu.memory_space<vmem_shared>>
        tpu.enqueue_dma source(%dma_start3A_57 : memref<16x128xf32, #tpu.memory_space<vmem_shared>>) target(%arg9 : memref<16x128xf32, #tpu.memory_space<vmem>>) target_semaphore(%run_scoped3A : memref<!tpu.dma_semaphore, #tpu.memory_space<semaphore_mem>>)
        %dma_wait3A_58 = arith.constant 0 : i32
        %dma_wait3A_59 = tpu.memref_slice %arg8[%dma_wait3A_58, %mul3A_44] : memref<16x1024xf32, #tpu.memory_space<vmem_shared>> -> memref<16x128xf32, #tpu.memory_space<vmem_shared>>
        %dma_wait3A_60 = arith.constant 0 : i32
        %dma_wait3A_61 = tpu.memref_slice %arg8[%dma_wait3A_60, %mul3A_44] : memref<16x1024xf32, #tpu.memory_space<vmem_shared>> -> memref<16x128xf32, #tpu.memory_space<vmem_shared>>
        tpu.wait_dma2 semaphore(%run_scoped3A : memref<!tpu.dma_semaphore, #tpu.memory_space<semaphore_mem>>) src(%dma_wait3A_61 : memref<16x128xf32, #tpu.memory_space<vmem_shared>>) dst(%arg9 : memref<16x128xf32, #tpu.memory_space<vmem>>)
        tpu.yield
      }) : () -> ()
      %scan3A_45 = arith.constant 0 : i32
      %scan3A_46 = arith.constant 0 : i32
      %scan3A_47 = arith.constant 8 : i32
      %scan3A_48 = arith.addi %scan3A_46, %scan3A_47 : i32
      %scan3A_49 = arith.constant 1 : i32
      %scan3A_50 = scf.for %scan3A_54 = %scan3A_46 to %scan3A_48 step %scan3A_49 iter_args(%scan3A_55 = %scan3A_45) -> (i32)  : i32 {
        %mul3A_56 = arith.constant 16 : i32
        %mul3A_57 = arith.muli %scan3A_54, %mul3A_56 : i32
        %get3A = arith.constant 0 : i32
        %get3A_58 = arith.index_cast %get3A : i32 to index
        %get3A_59 = arith.index_cast %mul3A_57 : i32 to index
        %get3A_60 = tpu.vector_load %arg9[%get3A_58, %get3A_59] {strides = array<i32>} : memref<16x128xf32, #tpu.memory_space<vmem>>, vector<16xf32>,
        %mul3A_61 = arith.constant 16 : i32
        %mul3A_62 = arith.muli %scan3A_54, %mul3A_61 : i32
        %get3A_63 = arith.constant 1 : i32
        %get3A_64 = arith.index_cast %get3A_63 : i32 to index
        %get3A_65 = arith.index_cast %mul3A_62 : i32 to index
        %get3A_66 = tpu.vector_load %arg9[%get3A_64, %get3A_65] {strides = array<i32>} : memref<16x128xf32, #tpu.memory_space<vmem>>, vector<16xf32>,
        %add3A_67 = arith.addf %get3A_60, %get3A_66 : vector<16xf32>
        %mul3A_68 = arith.constant 16 : i32
        %mul3A_69 = arith.muli %scan3A_54, %mul3A_68 : i32
        %get3A_70 = arith.constant 2 : i32
        %get3A_71 = arith.index_cast %get3A_70 : i32 to index
        %get3A_72 = arith.index_cast %mul3A_69 : i32 to index
        %get3A_73 = tpu.vector_load %arg9[%get3A_71, %get3A_72] {strides = array<i32>} : memref<16x128xf32, #tpu.memory_space<vmem>>, vector<16xf32>,
        %add3A_74 = arith.addf %add3A_67, %get3A_73 : vector<16xf32>
        %mul3A_75 = arith.constant 16 : i32
        %mul3A_76 = arith.muli %scan3A_54, %mul3A_75 : i32
        %get3A_77 = arith.constant 3 : i32
        %get3A_78 = arith.index_cast %get3A_77 : i32 to index
        %get3A_79 = arith.index_cast %mul3A_76 : i32 to index
        %get3A_80 = tpu.vector_load %arg9[%get3A_78, %get3A_79] {strides = array<i32>} : memref<16x128xf32, #tpu.memory_space<vmem>>, vector<16xf32>,
        %add3A_81 = arith.addf %add3A_74, %get3A_80 : vector<16xf32>
        %mul3A_82 = arith.constant 16 : i32
        %mul3A_83 = arith.muli %scan3A_54, %mul3A_82 : i32
        %get3A_84 = arith.constant 4 : i32
        %get3A_85 = arith.index_cast %get3A_84 : i32 to index
        %get3A_86 = arith.index_cast %mul3A_83 : i32 to index
        %get3A_87 = tpu.vector_load %arg9[%get3A_85, %get3A_86] {strides = array<i32>} : memref<16x128xf32, #tpu.memory_space<vmem>>, vector<16xf32>,
        %add3A_88 = arith.addf %add3A_81, %get3A_87 : vector<16xf32>
        %mul3A_89 = arith.constant 16 : i32
        %mul3A_90 = arith.muli %scan3A_54, %mul3A_89 : i32
        %get3A_91 = arith.constant 5 : i32
        %get3A_92 = arith.index_cast %get3A_91 : i32 to index
        %get3A_93 = arith.index_cast %mul3A_90 : i32 to index
        %get3A_94 = tpu.vector_load %arg9[%get3A_92, %get3A_93] {strides = array<i32>} : memref<16x128xf32, #tpu.memory_space<vmem>>, vector<16xf32>,
        %add3A_95 = arith.addf %add3A_88, %get3A_94 : vector<16xf32>
        %mul3A_96 = arith.constant 16 : i32
        %mul3A_97 = arith.muli %scan3A_54, %mul3A_96 : i32
        %get3A_98 = arith.constant 6 : i32
        %get3A_99 = arith.index_cast %get3A_98 : i32 to index
        %get3A_100 = arith.index_cast %mul3A_97 : i32 to index
        %get3A_101 = tpu.vector_load %arg9[%get3A_99, %get3A_100] {strides = array<i32>} : memref<16x128xf32, #tpu.memory_space<vmem>>, vector<16xf32>,
        %add3A_102 = arith.addf %add3A_95, %get3A_101 : vector<16xf32>
        %mul3A_103 = arith.constant 16 : i32
        %mul3A_104 = arith.muli %scan3A_54, %mul3A_103 : i32
        %get3A_105 = arith.constant 7 : i32
        %get3A_106 = arith.index_cast %get3A_105 : i32 to index
        %get3A_107 = arith.index_cast %mul3A_104 : i32 to index
        %get3A_108 = tpu.vector_load %arg9[%get3A_106, %get3A_107] {strides = array<i32>} : memref<16x128xf32, #tpu.memory_space<vmem>>, vector<16xf32>,
        %add3A_109 = arith.addf %add3A_102, %get3A_108 : vector<16xf32>
        %mul3A_110 = arith.constant 16 : i32
        %mul3A_111 = arith.muli %scan3A_54, %mul3A_110 : i32
        %get3A_112 = arith.constant 8 : i32
        %get3A_113 = arith.index_cast %get3A_112 : i32 to index
        %get3A_114 = arith.index_cast %mul3A_111 : i32 to index
        %get3A_115 = tpu.vector_load %arg9[%get3A_113, %get3A_114] {strides = array<i32>} : memref<16x128xf32, #tpu.memory_space<vmem>>, vector<16xf32>,
        %add3A_116 = arith.addf %add3A_109, %get3A_115 : vector<16xf32>
        %mul3A_117 = arith.constant 16 : i32
        %mul3A_118 = arith.muli %scan3A_54, %mul3A_117 : i32
        %get3A_119 = arith.constant 9 : i32
        %get3A_120 = arith.index_cast %get3A_119 : i32 to index
        %get3A_121 = arith.index_cast %mul3A_118 : i32 to index
        %get3A_122 = tpu.vector_load %arg9[%get3A_120, %get3A_121] {strides = array<i32>} : memref<16x128xf32, #tpu.memory_space<vmem>>, vector<16xf32>,
        %add3A_123 = arith.addf %add3A_116, %get3A_122 : vector<16xf32>
        %mul3A_124 = arith.constant 16 : i32
        %mul3A_125 = arith.muli %scan3A_54, %mul3A_124 : i32
        %get3A_126 = arith.constant 10 : i32
        %get3A_127 = arith.index_cast %get3A_126 : i32 to index
        %get3A_128 = arith.index_cast %mul3A_125 : i32 to index
        %get3A_129 = tpu.vector_load %arg9[%get3A_127, %get3A_128] {strides = array<i32>} : memref<16x128xf32, #tpu.memory_space<vmem>>, vector<16xf32>,
        %add3A_130 = arith.addf %add3A_123, %get3A_129 : vector<16xf32>
        %mul3A_131 = arith.constant 16 : i32
        %mul3A_132 = arith.muli %scan3A_54, %mul3A_131 : i32
        %get3A_133 = arith.constant 11 : i32
        %get3A_134 = arith.index_cast %get3A_133 : i32 to index
        %get3A_135 = arith.index_cast %mul3A_132 : i32 to index
        %get3A_136 = tpu.vector_load %arg9[%get3A_134, %get3A_135] {strides = array<i32>} : memref<16x128xf32, #tpu.memory_space<vmem>>, vector<16xf32>,
        %add3A_137 = arith.addf %add3A_130, %get3A_136 : vector<16xf32>
        %mul3A_138 = arith.constant 16 : i32
        %mul3A_139 = arith.muli %scan3A_54, %mul3A_138 : i32
        %get3A_140 = arith.constant 12 : i32
        %get3A_141 = arith.index_cast %get3A_140 : i32 to index
        %get3A_142 = arith.index_cast %mul3A_139 : i32 to index
        %get3A_143 = tpu.vector_load %arg9[%get3A_141, %get3A_142] {strides = array<i32>} : memref<16x128xf32, #tpu.memory_space<vmem>>, vector<16xf32>,
        %add3A_144 = arith.addf %add3A_137, %get3A_143 : vector<16xf32>
        %mul3A_145 = arith.constant 16 : i32
        %mul3A_146 = arith.muli %scan3A_54, %mul3A_145 : i32
        %get3A_147 = arith.constant 13 : i32
        %get3A_148 = arith.index_cast %get3A_147 : i32 to index
        %get3A_149 = arith.index_cast %mul3A_146 : i32 to index
        %get3A_150 = tpu.vector_load %arg9[%get3A_148, %get3A_149] {strides = array<i32>} : memref<16x128xf32, #tpu.memory_space<vmem>>, vector<16xf32>,
        %add3A_151 = arith.addf %add3A_144, %get3A_150 : vector<16xf32>
        %mul3A_152 = arith.constant 16 : i32
        %mul3A_153 = arith.muli %scan3A_54, %mul3A_152 : i32
        %get3A_154 = arith.constant 14 : i32
        %get3A_155 = arith.index_cast %get3A_154 : i32 to index
        %get3A_156 = arith.index_cast %mul3A_153 : i32 to index
        %get3A_157 = tpu.vector_load %arg9[%get3A_155, %get3A_156] {strides = array<i32>} : memref<16x128xf32, #tpu.memory_space<vmem>>, vector<16xf32>,
        %add3A_158 = arith.addf %add3A_151, %get3A_157 : vector<16xf32>
        %mul3A_159 = arith.constant 16 : i32
        %mul3A_160 = arith.muli %scan3A_54, %mul3A_159 : i32
        %get3A_161 = arith.constant 15 : i32
        %get3A_162 = arith.index_cast %get3A_161 : i32 to index
        %get3A_163 = arith.index_cast %mul3A_160 : i32 to index
        %get3A_164 = tpu.vector_load %arg9[%get3A_162, %get3A_163] {strides = array<i32>} : memref<16x128xf32, #tpu.memory_space<vmem>>, vector<16xf32>,
        %add3A_165 = arith.addf %add3A_158, %get3A_164 : vector<16xf32>
        %mul3A_166 = arith.constant 16 : i32
        %mul3A_167 = arith.muli %scan3A_54, %mul3A_166 : i32
        %swap3A = arith.index_cast %mul3A_167 : i32 to index
        %swap3A_168 = tpu.vector_load %arg10[%swap3A] {strides = array<i32>} : memref<128xf32, #tpu.memory_space<vmem>>, vector<16xf32>,
        tpu.vector_store %arg10[%swap3A], %add3A_165 {strides = array<i32>} : memref<128xf32, #tpu.memory_space<vmem>>, vector<16xf32>,
        %scan3A_169 = arith.constant 0 : i32
        scf.yield %scan3A_169 : i32
      }
      %scan3A_51 = arith.constant 8 : i32
      %mul3A_52 = arith.constant 128 : i32
      %mul3A_53 = arith.muli %arg1, %mul3A_52 : i32
      "tpu.region"() ({
        %run_scoped3A = tpu.sem_alloc : memref<!tpu.dma_semaphore, #tpu.memory_space<semaphore_mem>>
        %dma_start3A_54 = tpu.memref_slice %arg4[%arg0, %mul3A_53] : memref<2x1024xf32, #tpu.memory_space<hbm>> -> memref<1x128xf32, #tpu.memory_space<hbm>>
        %dma_start3A_55 = tpu.memref_squeeze %dma_start3A_54 : memref<1x128xf32, #tpu.memory_space<hbm>> -> memref<128xf32, #tpu.memory_space<hbm>>
        %dma_start3A_56 = tpu.memref_slice %arg4[%arg0, %mul3A_53] : memref<2x1024xf32, #tpu.memory_space<hbm>> -> memref<1x128xf32, #tpu.memory_space<hbm>>
        %dma_start3A_57 = tpu.memref_squeeze %dma_start3A_56 : memref<1x128xf32, #tpu.memory_space<hbm>> -> memref<128xf32, #tpu.memory_space<hbm>>
        tpu.enqueue_dma source(%arg10 : memref<128xf32, #tpu.memory_space<vmem>>) target(%dma_start3A_57 : memref<128xf32, #tpu.memory_space<hbm>>) target_semaphore(%run_scoped3A : memref<!tpu.dma_semaphore, #tpu.memory_space<semaphore_mem>>)
        %dma_wait3A_58 = tpu.memref_slice %arg4[%arg0, %mul3A_53] : memref<2x1024xf32, #tpu.memory_space<hbm>> -> memref<1x128xf32, #tpu.memory_space<hbm>>
        %dma_wait3A_59 = tpu.memref_squeeze %dma_wait3A_58 : memref<1x128xf32, #tpu.memory_space<hbm>> -> memref<128xf32, #tpu.memory_space<hbm>>
        %dma_wait3A_60 = tpu.memref_slice %arg4[%arg0, %mul3A_53] : memref<2x1024xf32, #tpu.memory_space<hbm>> -> memref<1x128xf32, #tpu.memory_space<hbm>>
        %dma_wait3A_61 = tpu.memref_squeeze %dma_wait3A_60 : memref<1x128xf32, #tpu.memory_space<hbm>> -> memref<128xf32, #tpu.memory_space<hbm>>
        tpu.wait_dma2 semaphore(%run_scoped3A : memref<!tpu.dma_semaphore, #tpu.memory_space<semaphore_mem>>) src(%arg10 : memref<128xf32, #tpu.memory_space<vmem>>) dst(%dma_wait3A_61 : memref<128xf32, #tpu.memory_space<hbm>>)
        tpu.yield
      }) : () -> ()
    } else {
    }
    return
  }
}

#map = affine_map<(d0, d1) -> (0)>
#map1 = affine_map<(d0, d1) -> (0, 0)>
module attributes {stable_mosaic.version = 14 : i64} {
  func.func @_segsum_body(%arg0: i32, %arg1: i32, %arg2: memref<192000xf32, #tpu.memory_space<hbm>>, %arg3: memref<320000xi32, #tpu.memory_space<hbm>>, %arg4: memref<2x1024xf32, #tpu.memory_space<hbm>>, %arg5: memref<6000xf32, #tpu.memory_space<vmem>>, %arg6: memref<6016xi32, #tpu.memory_space<vmem>>, %arg7: memref<1024xf32, #tpu.memory_space<vmem>>, %arg8: memref<16x1024xf32, #tpu.memory_space<vmem_shared>>, %arg9: memref<16x128xf32, #tpu.memory_space<vmem>>, %arg10: memref<128xf32, #tpu.memory_space<vmem>>, %arg11: memref<!tpu.dma_semaphore, #tpu.memory_space<semaphore_mem>>, %arg12: memref<!tpu.dma_semaphore, #tpu.memory_space<semaphore_mem>>) attributes {dimension_semantics = [#tpu.dimension_semantics<core_parallel>, #tpu.dimension_semantics<subcore_parallel>], iteration_bounds = array<i64: 2, 16>, scalar_prefetch = 0 : i64, scratch_operands = 8 : i64, tpu.core_type = #tpu.core_type<sc_vector_subcore>, window_params = [{transform_indices = #map}, {transform_indices = #map}, {transform_indices = #map1}]} {
    %mul3A = arith.constant 16 : i32
    %mul3A_0 = arith.muli %arg0, %mul3A : i32
    %add3A = arith.addi %mul3A_0, %arg1 : i32
    %mul3A_1 = arith.constant 6000 : i32
    %mul3A_2 = arith.muli %add3A, %mul3A_1 : i32
    %iota3A = tpu.iota {dimensions = array<i32: 0>} : vector<16xi32>
    %lt3A = arith.constant 8 : i32
    %lt3A_3 = vector.broadcast %lt3A : i32 to vector<16xi32>
    %lt3A_4 = arith.cmpi slt, %iota3A, %lt3A_3 : vector<16xi32>
    %add3A_5 = arith.constant 6000 : i32
    %add3A_6 = vector.broadcast %add3A_5 : i32 to vector<16xi32>
    %add3A_7 = arith.addi %add3A_6, %iota3A : vector<16xi32>
    %select_n3A = arith.select %lt3A_4, %iota3A, %add3A_7 : vector<16xi1>, vector<16xi32>
    %broadcast_in_dim3A = arith.constant -1 : i32
    %broadcast_in_dim3A_8 = vector.broadcast %broadcast_in_dim3A : i32 to vector<16xi32>
    tpu.vector_store_idx %arg6[%select_n3A], %broadcast_in_dim3A_8 : memref<6016xi32, #tpu.memory_space<vmem>>[vector<16xi32>], vector<16xi32>,
    %dma_start3A = tpu.memref_slice %arg2[%mul3A_2] : memref<192000xf32, #tpu.memory_space<hbm>> -> memref<6000xf32, #tpu.memory_space<hbm>>
    %dma_start3A_9 = tpu.memref_slice %arg2[%mul3A_2] : memref<192000xf32, #tpu.memory_space<hbm>> -> memref<6000xf32, #tpu.memory_space<hbm>>
    tpu.enqueue_dma source(%dma_start3A_9 : memref<6000xf32, #tpu.memory_space<hbm>>) target(%arg5 : memref<6000xf32, #tpu.memory_space<vmem>>) target_semaphore(%arg11 : memref<!tpu.dma_semaphore, #tpu.memory_space<semaphore_mem>>)
    %add3A_10 = arith.constant 0 : i32
    %add3A_11 = arith.addi %add3A_10, %mul3A_2 : i32
    %dma_start3A_12 = arith.constant 8 : i32
    %dma_start3A_13 = tpu.memref_slice %arg6[%dma_start3A_12] : memref<6016xi32, #tpu.memory_space<vmem>> -> memref<6000xi32, #tpu.memory_space<vmem>>
    %dma_start3A_14 = tpu.memref_slice %arg3[%add3A_11] : memref<320000xi32, #tpu.memory_space<hbm>> -> memref<6000xi32, #tpu.memory_space<hbm>>
    %dma_start3A_15 = arith.constant 8 : i32
    %dma_start3A_16 = tpu.memref_slice %arg6[%dma_start3A_15] : memref<6016xi32, #tpu.memory_space<vmem>> -> memref<6000xi32, #tpu.memory_space<vmem>>
    %dma_start3A_17 = tpu.memref_slice %arg3[%add3A_11] : memref<320000xi32, #tpu.memory_space<hbm>> -> memref<6000xi32, #tpu.memory_space<hbm>>
    tpu.enqueue_dma source(%dma_start3A_17 : memref<6000xi32, #tpu.memory_space<hbm>>) target(%dma_start3A_16 : memref<6000xi32, #tpu.memory_space<vmem>>) target_semaphore(%arg12 : memref<!tpu.dma_semaphore, #tpu.memory_space<semaphore_mem>>)
    %broadcast_in_dim3A_18 = arith.constant 0.000000e+00 : f32
    %broadcast_in_dim3A_19 = vector.broadcast %broadcast_in_dim3A_18 : f32 to vector<16xf32>
    %scan3A = arith.constant 0 : i32
    %scan3A_20 = arith.constant 0 : i32
    %scan3A_21 = arith.constant 64 : i32
    %scan3A_22 = arith.addi %scan3A_20, %scan3A_21 : i32
    %scan3A_23 = arith.constant 1 : i32
    %scan3A_24 = scf.for %scan3A_43 = %scan3A_20 to %scan3A_22 step %scan3A_23 iter_args(%scan3A_44 = %scan3A) -> (i32)  : i32 {
      %mul3A_45 = arith.constant 16 : i32
      %mul3A_46 = arith.muli %scan3A_43, %mul3A_45 : i32
      %swap3A = arith.index_cast %mul3A_46 : i32 to index
      %swap3A_47 = tpu.vector_load %arg7[%swap3A] {strides = array<i32>} : memref<1024xf32, #tpu.memory_space<vmem>>, vector<16xf32>,
      tpu.vector_store %arg7[%swap3A], %broadcast_in_dim3A_19 {strides = array<i32>} : memref<1024xf32, #tpu.memory_space<vmem>>, vector<16xf32>,
      %scan3A_48 = arith.constant 0 : i32
      scf.yield %scan3A_48 : i32
    }
    %scan3A_25 = arith.constant 64 : i32
    %dma_wait3A = tpu.memref_slice %arg2[%mul3A_2] : memref<192000xf32, #tpu.memory_space<hbm>> -> memref<6000xf32, #tpu.memory_space<hbm>>
    %dma_wait3A_26 = tpu.memref_slice %arg2[%mul3A_2] : memref<192000xf32, #tpu.memory_space<hbm>> -> memref<6000xf32, #tpu.memory_space<hbm>>
    tpu.wait_dma2 semaphore(%arg11 : memref<!tpu.dma_semaphore, #tpu.memory_space<semaphore_mem>>) src(%dma_wait3A_26 : memref<6000xf32, #tpu.memory_space<hbm>>) dst(%arg5 : memref<6000xf32, #tpu.memory_space<vmem>>)
    %dma_wait3A_27 = arith.constant 8 : i32
    %dma_wait3A_28 = tpu.memref_slice %arg6[%dma_wait3A_27] : memref<6016xi32, #tpu.memory_space<vmem>> -> memref<6000xi32, #tpu.memory_space<vmem>>
    %dma_wait3A_29 = tpu.memref_slice %arg3[%add3A_11] : memref<320000xi32, #tpu.memory_space<hbm>> -> memref<6000xi32, #tpu.memory_space<hbm>>
    %dma_wait3A_30 = arith.constant 8 : i32
    %dma_wait3A_31 = tpu.memref_slice %arg6[%dma_wait3A_30] : memref<6016xi32, #tpu.memory_space<vmem>> -> memref<6000xi32, #tpu.memory_space<vmem>>
    %dma_wait3A_32 = tpu.memref_slice %arg3[%add3A_11] : memref<320000xi32, #tpu.memory_space<hbm>> -> memref<6000xi32, #tpu.memory_space<hbm>>
    tpu.wait_dma2 semaphore(%arg12 : memref<!tpu.dma_semaphore, #tpu.memory_space<semaphore_mem>>) src(%dma_wait3A_32 : memref<6000xi32, #tpu.memory_space<hbm>>) dst(%dma_wait3A_31 : memref<6000xi32, #tpu.memory_space<vmem>>)
    %scan3A_33 = arith.constant 0.000000e+00 : f32
    %scan3A_34 = arith.constant 0 : i32
    %scan3A_35 = arith.constant 75 : i32
    %scan3A_36 = arith.addi %scan3A_34, %scan3A_35 : i32
    %scan3A_37 = arith.constant 1 : i32
    %scan3A_38 = scf.for %scan3A_43 = %scan3A_34 to %scan3A_36 step %scan3A_37 iter_args(%scan3A_44 = %scan3A_33) -> (f32)  : i32 {
      %mul3A_45 = arith.constant 80 : i32
      %mul3A_46 = arith.muli %scan3A_43, %mul3A_45 : i32
      %add3A_47 = arith.constant 0 : i32
      %add3A_48 = arith.addi %mul3A_46, %add3A_47 : i32
      %get3A = arith.index_cast %add3A_48 : i32 to index
      %get3A_49 = tpu.vector_load %arg5[%get3A] {strides = array<i32>} : memref<6000xf32, #tpu.memory_space<vmem>>, vector<16xf32>,
      %add3A_50 = arith.constant 8 : i32
      %add3A_51 = arith.addi %add3A_48, %add3A_50 : i32
      %get3A_52 = arith.index_cast %add3A_51 : i32 to index
      %get3A_53 = tpu.vector_load %arg6[%get3A_52] {strides = array<i32>} : memref<6016xi32, #tpu.memory_space<vmem>>, vector<16xi32>,
      %add3A_54 = arith.constant 7 : i32
      %add3A_55 = arith.addi %add3A_48, %add3A_54 : i32
      %get3A_56 = arith.index_cast %add3A_55 : i32 to index
      %get3A_57 = tpu.vector_load %arg6[%get3A_56] {strides = array<i32>} : memref<6016xi32, #tpu.memory_space<vmem>>, vector<16xi32>,
      %add3A_58 = arith.constant 9 : i32
      %add3A_59 = arith.addi %add3A_48, %add3A_58 : i32
      %get3A_60 = arith.index_cast %add3A_59 : i32 to index
      %get3A_61 = tpu.vector_load %arg6[%get3A_60] {strides = array<i32>} : memref<6016xi32, #tpu.memory_space<vmem>>, vector<16xi32>,
      %broadcast_in_dim3A_62 = arith.constant true
      %broadcast_in_dim3A_63 = vector.broadcast %broadcast_in_dim3A_62 : i1 to vector<16xi1>
      %masked_cumsum3A = tpu.scan <sum>, %get3A_49 masked %broadcast_in_dim3A_63 : vector<16xf32>, vector<16xi1> -> vector<16xf32>
      %add3A_64 = vector.broadcast %scan3A_44 : f32 to vector<16xf32>
      %add3A_65 = arith.addf %masked_cumsum3A, %add3A_64 : vector<16xf32>
      %ne3A = arith.cmpi ne, %get3A_53, %get3A_61 : vector<16xi32>
      tpu.vector_store_idx %arg7[%get3A_53], %add3A_65 masked %ne3A {add = true} : memref<1024xf32, #tpu.memory_space<vmem>>[vector<16xi32>], vector<16xf32>, vector<16xi1>
      %sub3A = arith.subf %get3A_49, %add3A_65 : vector<16xf32>
      %ne3A_66 = arith.cmpi ne, %get3A_53, %get3A_57 : vector<16xi32>
      tpu.vector_store_idx %arg7[%get3A_53], %sub3A masked %ne3A_66 {add = true} : memref<1024xf32, #tpu.memory_space<vmem>>[vector<16xi32>], vector<16xf32>, vector<16xi1>
      %reduce_sum3A = arith.constant true
      %reduce_sum3A_67 = vector.broadcast %reduce_sum3A : i1 to vector<16xi1>
      %reduce_sum3A_68 = tpu.scan <sum>, %get3A_49 masked %reduce_sum3A_67 : vector<16xf32>, vector<16xi1> -> vector<16xf32>
      %reduce_sum3A_69 = vector.extract %reduce_sum3A_68[15] : f32 from vector<16xf32>
      %add3A_70 = arith.addf %scan3A_44, %reduce_sum3A_69 : f32
      %add3A_71 = arith.constant 16 : i32
      %add3A_72 = arith.addi %mul3A_46, %add3A_71 : i32
      %get3A_73 = arith.index_cast %add3A_72 : i32 to index
      %get3A_74 = tpu.vector_load %arg5[%get3A_73] {strides = array<i32>} : memref<6000xf32, #tpu.memory_space<vmem>>, vector<16xf32>,
      %add3A_75 = arith.constant 8 : i32
      %add3A_76 = arith.addi %add3A_72, %add3A_75 : i32
      %get3A_77 = arith.index_cast %add3A_76 : i32 to index
      %get3A_78 = tpu.vector_load %arg6[%get3A_77] {strides = array<i32>} : memref<6016xi32, #tpu.memory_space<vmem>>, vector<16xi32>,
      %add3A_79 = arith.constant 7 : i32
      %add3A_80 = arith.addi %add3A_72, %add3A_79 : i32
      %get3A_81 = arith.index_cast %add3A_80 : i32 to index
      %get3A_82 = tpu.vector_load %arg6[%get3A_81] {strides = array<i32>} : memref<6016xi32, #tpu.memory_space<vmem>>, vector<16xi32>,
      %add3A_83 = arith.constant 9 : i32
      %add3A_84 = arith.addi %add3A_72, %add3A_83 : i32
      %get3A_85 = arith.index_cast %add3A_84 : i32 to index
      %get3A_86 = tpu.vector_load %arg6[%get3A_85] {strides = array<i32>} : memref<6016xi32, #tpu.memory_space<vmem>>, vector<16xi32>,
      %broadcast_in_dim3A_87 = arith.constant true
      %broadcast_in_dim3A_88 = vector.broadcast %broadcast_in_dim3A_87 : i1 to vector<16xi1>
      %masked_cumsum3A_89 = tpu.scan <sum>, %get3A_74 masked %broadcast_in_dim3A_88 : vector<16xf32>, vector<16xi1> -> vector<16xf32>
      %add3A_90 = vector.broadcast %add3A_70 : f32 to vector<16xf32>
      %add3A_91 = arith.addf %masked_cumsum3A_89, %add3A_90 : vector<16xf32>
      %ne3A_92 = arith.cmpi ne, %get3A_78, %get3A_86 : vector<16xi32>
      tpu.vector_store_idx %arg7[%get3A_78], %add3A_91 masked %ne3A_92 {add = true} : memref<1024xf32, #tpu.memory_space<vmem>>[vector<16xi32>], vector<16xf32>, vector<16xi1>
      %sub3A_93 = arith.subf %get3A_74, %add3A_91 : vector<16xf32>
      %ne3A_94 = arith.cmpi ne, %get3A_78, %get3A_82 : vector<16xi32>
      tpu.vector_store_idx %arg7[%get3A_78], %sub3A_93 masked %ne3A_94 {add = true} : memref<1024xf32, #tpu.memory_space<vmem>>[vector<16xi32>], vector<16xf32>, vector<16xi1>
      %reduce_sum3A_95 = arith.constant true
      %reduce_sum3A_96 = vector.broadcast %reduce_sum3A_95 : i1 to vector<16xi1>
      %reduce_sum3A_97 = tpu.scan <sum>, %get3A_74 masked %reduce_sum3A_96 : vector<16xf32>, vector<16xi1> -> vector<16xf32>
      %reduce_sum3A_98 = vector.extract %reduce_sum3A_97[15] : f32 from vector<16xf32>
      %add3A_99 = arith.addf %add3A_70, %reduce_sum3A_98 : f32
      %add3A_100 = arith.constant 32 : i32
      %add3A_101 = arith.addi %mul3A_46, %add3A_100 : i32
      %get3A_102 = arith.index_cast %add3A_101 : i32 to index
      %get3A_103 = tpu.vector_load %arg5[%get3A_102] {strides = array<i32>} : memref<6000xf32, #tpu.memory_space<vmem>>, vector<16xf32>,
      %add3A_104 = arith.constant 8 : i32
      %add3A_105 = arith.addi %add3A_101, %add3A_104 : i32
      %get3A_106 = arith.index_cast %add3A_105 : i32 to index
      %get3A_107 = tpu.vector_load %arg6[%get3A_106] {strides = array<i32>} : memref<6016xi32, #tpu.memory_space<vmem>>, vector<16xi32>,
      %add3A_108 = arith.constant 7 : i32
      %add3A_109 = arith.addi %add3A_101, %add3A_108 : i32
      %get3A_110 = arith.index_cast %add3A_109 : i32 to index
      %get3A_111 = tpu.vector_load %arg6[%get3A_110] {strides = array<i32>} : memref<6016xi32, #tpu.memory_space<vmem>>, vector<16xi32>,
      %add3A_112 = arith.constant 9 : i32
      %add3A_113 = arith.addi %add3A_101, %add3A_112 : i32
      %get3A_114 = arith.index_cast %add3A_113 : i32 to index
      %get3A_115 = tpu.vector_load %arg6[%get3A_114] {strides = array<i32>} : memref<6016xi32, #tpu.memory_space<vmem>>, vector<16xi32>,
      %broadcast_in_dim3A_116 = arith.constant true
      %broadcast_in_dim3A_117 = vector.broadcast %broadcast_in_dim3A_116 : i1 to vector<16xi1>
      %masked_cumsum3A_118 = tpu.scan <sum>, %get3A_103 masked %broadcast_in_dim3A_117 : vector<16xf32>, vector<16xi1> -> vector<16xf32>
      %add3A_119 = vector.broadcast %add3A_99 : f32 to vector<16xf32>
      %add3A_120 = arith.addf %masked_cumsum3A_118, %add3A_119 : vector<16xf32>
      %ne3A_121 = arith.cmpi ne, %get3A_107, %get3A_115 : vector<16xi32>
      tpu.vector_store_idx %arg7[%get3A_107], %add3A_120 masked %ne3A_121 {add = true} : memref<1024xf32, #tpu.memory_space<vmem>>[vector<16xi32>], vector<16xf32>, vector<16xi1>
      %sub3A_122 = arith.subf %get3A_103, %add3A_120 : vector<16xf32>
      %ne3A_123 = arith.cmpi ne, %get3A_107, %get3A_111 : vector<16xi32>
      tpu.vector_store_idx %arg7[%get3A_107], %sub3A_122 masked %ne3A_123 {add = true} : memref<1024xf32, #tpu.memory_space<vmem>>[vector<16xi32>], vector<16xf32>, vector<16xi1>
      %reduce_sum3A_124 = arith.constant true
      %reduce_sum3A_125 = vector.broadcast %reduce_sum3A_124 : i1 to vector<16xi1>
      %reduce_sum3A_126 = tpu.scan <sum>, %get3A_103 masked %reduce_sum3A_125 : vector<16xf32>, vector<16xi1> -> vector<16xf32>
      %reduce_sum3A_127 = vector.extract %reduce_sum3A_126[15] : f32 from vector<16xf32>
      %add3A_128 = arith.addf %add3A_99, %reduce_sum3A_127 : f32
      %add3A_129 = arith.constant 48 : i32
      %add3A_130 = arith.addi %mul3A_46, %add3A_129 : i32
      %get3A_131 = arith.index_cast %add3A_130 : i32 to index
      %get3A_132 = tpu.vector_load %arg5[%get3A_131] {strides = array<i32>} : memref<6000xf32, #tpu.memory_space<vmem>>, vector<16xf32>,
      %add3A_133 = arith.constant 8 : i32
      %add3A_134 = arith.addi %add3A_130, %add3A_133 : i32
      %get3A_135 = arith.index_cast %add3A_134 : i32 to index
      %get3A_136 = tpu.vector_load %arg6[%get3A_135] {strides = array<i32>} : memref<6016xi32, #tpu.memory_space<vmem>>, vector<16xi32>,
      %add3A_137 = arith.constant 7 : i32
      %add3A_138 = arith.addi %add3A_130, %add3A_137 : i32
      %get3A_139 = arith.index_cast %add3A_138 : i32 to index
      %get3A_140 = tpu.vector_load %arg6[%get3A_139] {strides = array<i32>} : memref<6016xi32, #tpu.memory_space<vmem>>, vector<16xi32>,
      %add3A_141 = arith.constant 9 : i32
      %add3A_142 = arith.addi %add3A_130, %add3A_141 : i32
      %get3A_143 = arith.index_cast %add3A_142 : i32 to index
      %get3A_144 = tpu.vector_load %arg6[%get3A_143] {strides = array<i32>} : memref<6016xi32, #tpu.memory_space<vmem>>, vector<16xi32>,
      %broadcast_in_dim3A_145 = arith.constant true
      %broadcast_in_dim3A_146 = vector.broadcast %broadcast_in_dim3A_145 : i1 to vector<16xi1>
      %masked_cumsum3A_147 = tpu.scan <sum>, %get3A_132 masked %broadcast_in_dim3A_146 : vector<16xf32>, vector<16xi1> -> vector<16xf32>
      %add3A_148 = vector.broadcast %add3A_128 : f32 to vector<16xf32>
      %add3A_149 = arith.addf %masked_cumsum3A_147, %add3A_148 : vector<16xf32>
      %ne3A_150 = arith.cmpi ne, %get3A_136, %get3A_144 : vector<16xi32>
      tpu.vector_store_idx %arg7[%get3A_136], %add3A_149 masked %ne3A_150 {add = true} : memref<1024xf32, #tpu.memory_space<vmem>>[vector<16xi32>], vector<16xf32>, vector<16xi1>
      %sub3A_151 = arith.subf %get3A_132, %add3A_149 : vector<16xf32>
      %ne3A_152 = arith.cmpi ne, %get3A_136, %get3A_140 : vector<16xi32>
      tpu.vector_store_idx %arg7[%get3A_136], %sub3A_151 masked %ne3A_152 {add = true} : memref<1024xf32, #tpu.memory_space<vmem>>[vector<16xi32>], vector<16xf32>, vector<16xi1>
      %reduce_sum3A_153 = arith.constant true
      %reduce_sum3A_154 = vector.broadcast %reduce_sum3A_153 : i1 to vector<16xi1>
      %reduce_sum3A_155 = tpu.scan <sum>, %get3A_132 masked %reduce_sum3A_154 : vector<16xf32>, vector<16xi1> -> vector<16xf32>
      %reduce_sum3A_156 = vector.extract %reduce_sum3A_155[15] : f32 from vector<16xf32>
      %add3A_157 = arith.addf %add3A_128, %reduce_sum3A_156 : f32
      %add3A_158 = arith.constant 64 : i32
      %add3A_159 = arith.addi %mul3A_46, %add3A_158 : i32
      %get3A_160 = arith.index_cast %add3A_159 : i32 to index
      %get3A_161 = tpu.vector_load %arg5[%get3A_160] {strides = array<i32>} : memref<6000xf32, #tpu.memory_space<vmem>>, vector<16xf32>,
      %add3A_162 = arith.constant 8 : i32
      %add3A_163 = arith.addi %add3A_159, %add3A_162 : i32
      %get3A_164 = arith.index_cast %add3A_163 : i32 to index
      %get3A_165 = tpu.vector_load %arg6[%get3A_164] {strides = array<i32>} : memref<6016xi32, #tpu.memory_space<vmem>>, vector<16xi32>,
      %add3A_166 = arith.constant 7 : i32
      %add3A_167 = arith.addi %add3A_159, %add3A_166 : i32
      %get3A_168 = arith.index_cast %add3A_167 : i32 to index
      %get3A_169 = tpu.vector_load %arg6[%get3A_168] {strides = array<i32>} : memref<6016xi32, #tpu.memory_space<vmem>>, vector<16xi32>,
      %add3A_170 = arith.constant 9 : i32
      %add3A_171 = arith.addi %add3A_159, %add3A_170 : i32
      %get3A_172 = arith.index_cast %add3A_171 : i32 to index
      %get3A_173 = tpu.vector_load %arg6[%get3A_172] {strides = array<i32>} : memref<6016xi32, #tpu.memory_space<vmem>>, vector<16xi32>,
      %broadcast_in_dim3A_174 = arith.constant true
      %broadcast_in_dim3A_175 = vector.broadcast %broadcast_in_dim3A_174 : i1 to vector<16xi1>
      %masked_cumsum3A_176 = tpu.scan <sum>, %get3A_161 masked %broadcast_in_dim3A_175 : vector<16xf32>, vector<16xi1> -> vector<16xf32>
      %add3A_177 = vector.broadcast %add3A_157 : f32 to vector<16xf32>
      %add3A_178 = arith.addf %masked_cumsum3A_176, %add3A_177 : vector<16xf32>
      %ne3A_179 = arith.cmpi ne, %get3A_165, %get3A_173 : vector<16xi32>
      tpu.vector_store_idx %arg7[%get3A_165], %add3A_178 masked %ne3A_179 {add = true} : memref<1024xf32, #tpu.memory_space<vmem>>[vector<16xi32>], vector<16xf32>, vector<16xi1>
      %sub3A_180 = arith.subf %get3A_161, %add3A_178 : vector<16xf32>
      %ne3A_181 = arith.cmpi ne, %get3A_165, %get3A_169 : vector<16xi32>
      tpu.vector_store_idx %arg7[%get3A_165], %sub3A_180 masked %ne3A_181 {add = true} : memref<1024xf32, #tpu.memory_space<vmem>>[vector<16xi32>], vector<16xf32>, vector<16xi1>
      %reduce_sum3A_182 = arith.constant true
      %reduce_sum3A_183 = vector.broadcast %reduce_sum3A_182 : i1 to vector<16xi1>
      %reduce_sum3A_184 = tpu.scan <sum>, %get3A_161 masked %reduce_sum3A_183 : vector<16xf32>, vector<16xi1> -> vector<16xf32>
      %reduce_sum3A_185 = vector.extract %reduce_sum3A_184[15] : f32 from vector<16xf32>
      %add3A_186 = arith.addf %add3A_157, %reduce_sum3A_185 : f32
      scf.yield %add3A_186 : f32
    }
    %scan3A_39 = arith.constant 75 : i32
    "tpu.region"() ({
      %run_scoped3A = tpu.sem_alloc : memref<!tpu.dma_semaphore, #tpu.memory_space<semaphore_mem>>
      %dma_start3A_43 = arith.constant 0 : i32
      %dma_start3A_44 = tpu.memref_slice %arg8[%arg1, %dma_start3A_43] : memref<16x1024xf32, #tpu.memory_space<vmem_shared>> -> memref<1x1024xf32, #tpu.memory_space<vmem_shared>>
      %dma_start3A_45 = tpu.memref_squeeze %dma_start3A_44 : memref<1x1024xf32, #tpu.memory_space<vmem_shared>> -> memref<1024xf32, #tpu.memory_space<vmem_shared>>
      %dma_start3A_46 = arith.constant 0 : i32
      %dma_start3A_47 = tpu.memref_slice %arg8[%arg1, %dma_start3A_46] : memref<16x1024xf32, #tpu.memory_space<vmem_shared>> -> memref<1x1024xf32, #tpu.memory_space<vmem_shared>>
      %dma_start3A_48 = tpu.memref_squeeze %dma_start3A_47 : memref<1x1024xf32, #tpu.memory_space<vmem_shared>> -> memref<1024xf32, #tpu.memory_space<vmem_shared>>
      tpu.enqueue_dma source(%arg7 : memref<1024xf32, #tpu.memory_space<vmem>>) target(%dma_start3A_48 : memref<1024xf32, #tpu.memory_space<vmem_shared>>) target_semaphore(%run_scoped3A : memref<!tpu.dma_semaphore, #tpu.memory_space<semaphore_mem>>)
      %dma_wait3A_49 = arith.constant 0 : i32
      %dma_wait3A_50 = tpu.memref_slice %arg8[%arg1, %dma_wait3A_49] : memref<16x1024xf32, #tpu.memory_space<vmem_shared>> -> memref<1x1024xf32, #tpu.memory_space<vmem_shared>>
      %dma_wait3A_51 = tpu.memref_squeeze %dma_wait3A_50 : memref<1x1024xf32, #tpu.memory_space<vmem_shared>> -> memref<1024xf32, #tpu.memory_space<vmem_shared>>
      %dma_wait3A_52 = arith.constant 0 : i32
      %dma_wait3A_53 = tpu.memref_slice %arg8[%arg1, %dma_wait3A_52] : memref<16x1024xf32, #tpu.memory_space<vmem_shared>> -> memref<1x1024xf32, #tpu.memory_space<vmem_shared>>
      %dma_wait3A_54 = tpu.memref_squeeze %dma_wait3A_53 : memref<1x1024xf32, #tpu.memory_space<vmem_shared>> -> memref<1024xf32, #tpu.memory_space<vmem_shared>>
      tpu.wait_dma2 semaphore(%run_scoped3A : memref<!tpu.dma_semaphore, #tpu.memory_space<semaphore_mem>>) src(%arg7 : memref<1024xf32, #tpu.memory_space<vmem>>) dst(%dma_wait3A_54 : memref<1024xf32, #tpu.memory_space<vmem_shared>>)
      tpu.yield
    }) : () -> ()
    %barrier3A = arith.constant 0 : index
    tpu.barrier barrier_id(%barrier3A)
    %lt3A_40 = arith.constant 8 : i32
    %lt3A_41 = arith.cmpi slt, %arg1, %lt3A_40 : i32
    %convert_element_type3A = arith.extui %lt3A_41 : i1 to i32
    %cond3A = arith.constant 0 : i32
    %cond3A_42 = arith.cmpi ne, %convert_element_type3A, %cond3A : i32
    scf.if %cond3A_42 {
      %mul3A_43 = arith.constant 128 : i32
      %mul3A_44 = arith.muli %arg1, %mul3A_43 : i32
      "tpu.region"() ({
        %run_scoped3A = tpu.sem_alloc : memref<!tpu.dma_semaphore, #tpu.memory_space<semaphore_mem>>
        %dma_start3A_54 = arith.constant 0 : i32
        %dma_start3A_55 = tpu.memref_slice %arg8[%dma_start3A_54, %mul3A_44] : memref<16x1024xf32, #tpu.memory_space<vmem_shared>> -> memref<16x128xf32, #tpu.memory_space<vmem_shared>>
        %dma_start3A_56 = arith.constant 0 : i32
        %dma_start3A_57 = tpu.memref_slice %arg8[%dma_start3A_56, %mul3A_44] : memref<16x1024xf32, #tpu.memory_space<vmem_shared>> -> memref<16x128xf32, #tpu.memory_space<vmem_shared>>
        tpu.enqueue_dma source(%dma_start3A_57 : memref<16x128xf32, #tpu.memory_space<vmem_shared>>) target(%arg9 : memref<16x128xf32, #tpu.memory_space<vmem>>) target_semaphore(%run_scoped3A : memref<!tpu.dma_semaphore, #tpu.memory_space<semaphore_mem>>)
        %dma_wait3A_58 = arith.constant 0 : i32
        %dma_wait3A_59 = tpu.memref_slice %arg8[%dma_wait3A_58, %mul3A_44] : memref<16x1024xf32, #tpu.memory_space<vmem_shared>> -> memref<16x128xf32, #tpu.memory_space<vmem_shared>>
        %dma_wait3A_60 = arith.constant 0 : i32
        %dma_wait3A_61 = tpu.memref_slice %arg8[%dma_wait3A_60, %mul3A_44] : memref<16x1024xf32, #tpu.memory_space<vmem_shared>> -> memref<16x128xf32, #tpu.memory_space<vmem_shared>>
        tpu.wait_dma2 semaphore(%run_scoped3A : memref<!tpu.dma_semaphore, #tpu.memory_space<semaphore_mem>>) src(%dma_wait3A_61 : memref<16x128xf32, #tpu.memory_space<vmem_shared>>) dst(%arg9 : memref<16x128xf32, #tpu.memory_space<vmem>>)
        tpu.yield
      }) : () -> ()
      %scan3A_45 = arith.constant 0 : i32
      %scan3A_46 = arith.constant 0 : i32
      %scan3A_47 = arith.constant 8 : i32
      %scan3A_48 = arith.addi %scan3A_46, %scan3A_47 : i32
      %scan3A_49 = arith.constant 1 : i32
      %scan3A_50 = scf.for %scan3A_54 = %scan3A_46 to %scan3A_48 step %scan3A_49 iter_args(%scan3A_55 = %scan3A_45) -> (i32)  : i32 {
        %mul3A_56 = arith.constant 16 : i32
        %mul3A_57 = arith.muli %scan3A_54, %mul3A_56 : i32
        %get3A = arith.constant 0 : i32
        %get3A_58 = arith.index_cast %get3A : i32 to index
        %get3A_59 = arith.index_cast %mul3A_57 : i32 to index
        %get3A_60 = tpu.vector_load %arg9[%get3A_58, %get3A_59] {strides = array<i32>} : memref<16x128xf32, #tpu.memory_space<vmem>>, vector<16xf32>,
        %mul3A_61 = arith.constant 16 : i32
        %mul3A_62 = arith.muli %scan3A_54, %mul3A_61 : i32
        %get3A_63 = arith.constant 1 : i32
        %get3A_64 = arith.index_cast %get3A_63 : i32 to index
        %get3A_65 = arith.index_cast %mul3A_62 : i32 to index
        %get3A_66 = tpu.vector_load %arg9[%get3A_64, %get3A_65] {strides = array<i32>} : memref<16x128xf32, #tpu.memory_space<vmem>>, vector<16xf32>,
        %add3A_67 = arith.addf %get3A_60, %get3A_66 : vector<16xf32>
        %mul3A_68 = arith.constant 16 : i32
        %mul3A_69 = arith.muli %scan3A_54, %mul3A_68 : i32
        %get3A_70 = arith.constant 2 : i32
        %get3A_71 = arith.index_cast %get3A_70 : i32 to index
        %get3A_72 = arith.index_cast %mul3A_69 : i32 to index
        %get3A_73 = tpu.vector_load %arg9[%get3A_71, %get3A_72] {strides = array<i32>} : memref<16x128xf32, #tpu.memory_space<vmem>>, vector<16xf32>,
        %add3A_74 = arith.addf %add3A_67, %get3A_73 : vector<16xf32>
        %mul3A_75 = arith.constant 16 : i32
        %mul3A_76 = arith.muli %scan3A_54, %mul3A_75 : i32
        %get3A_77 = arith.constant 3 : i32
        %get3A_78 = arith.index_cast %get3A_77 : i32 to index
        %get3A_79 = arith.index_cast %mul3A_76 : i32 to index
        %get3A_80 = tpu.vector_load %arg9[%get3A_78, %get3A_79] {strides = array<i32>} : memref<16x128xf32, #tpu.memory_space<vmem>>, vector<16xf32>,
        %add3A_81 = arith.addf %add3A_74, %get3A_80 : vector<16xf32>
        %mul3A_82 = arith.constant 16 : i32
        %mul3A_83 = arith.muli %scan3A_54, %mul3A_82 : i32
        %get3A_84 = arith.constant 4 : i32
        %get3A_85 = arith.index_cast %get3A_84 : i32 to index
        %get3A_86 = arith.index_cast %mul3A_83 : i32 to index
        %get3A_87 = tpu.vector_load %arg9[%get3A_85, %get3A_86] {strides = array<i32>} : memref<16x128xf32, #tpu.memory_space<vmem>>, vector<16xf32>,
        %add3A_88 = arith.addf %add3A_81, %get3A_87 : vector<16xf32>
        %mul3A_89 = arith.constant 16 : i32
        %mul3A_90 = arith.muli %scan3A_54, %mul3A_89 : i32
        %get3A_91 = arith.constant 5 : i32
        %get3A_92 = arith.index_cast %get3A_91 : i32 to index
        %get3A_93 = arith.index_cast %mul3A_90 : i32 to index
        %get3A_94 = tpu.vector_load %arg9[%get3A_92, %get3A_93] {strides = array<i32>} : memref<16x128xf32, #tpu.memory_space<vmem>>, vector<16xf32>,
        %add3A_95 = arith.addf %add3A_88, %get3A_94 : vector<16xf32>
        %mul3A_96 = arith.constant 16 : i32
        %mul3A_97 = arith.muli %scan3A_54, %mul3A_96 : i32
        %get3A_98 = arith.constant 6 : i32
        %get3A_99 = arith.index_cast %get3A_98 : i32 to index
        %get3A_100 = arith.index_cast %mul3A_97 : i32 to index
        %get3A_101 = tpu.vector_load %arg9[%get3A_99, %get3A_100] {strides = array<i32>} : memref<16x128xf32, #tpu.memory_space<vmem>>, vector<16xf32>,
        %add3A_102 = arith.addf %add3A_95, %get3A_101 : vector<16xf32>
        %mul3A_103 = arith.constant 16 : i32
        %mul3A_104 = arith.muli %scan3A_54, %mul3A_103 : i32
        %get3A_105 = arith.constant 7 : i32
        %get3A_106 = arith.index_cast %get3A_105 : i32 to index
        %get3A_107 = arith.index_cast %mul3A_104 : i32 to index
        %get3A_108 = tpu.vector_load %arg9[%get3A_106, %get3A_107] {strides = array<i32>} : memref<16x128xf32, #tpu.memory_space<vmem>>, vector<16xf32>,
        %add3A_109 = arith.addf %add3A_102, %get3A_108 : vector<16xf32>
        %mul3A_110 = arith.constant 16 : i32
        %mul3A_111 = arith.muli %scan3A_54, %mul3A_110 : i32
        %get3A_112 = arith.constant 8 : i32
        %get3A_113 = arith.index_cast %get3A_112 : i32 to index
        %get3A_114 = arith.index_cast %mul3A_111 : i32 to index
        %get3A_115 = tpu.vector_load %arg9[%get3A_113, %get3A_114] {strides = array<i32>} : memref<16x128xf32, #tpu.memory_space<vmem>>, vector<16xf32>,
        %add3A_116 = arith.addf %add3A_109, %get3A_115 : vector<16xf32>
        %mul3A_117 = arith.constant 16 : i32
        %mul3A_118 = arith.muli %scan3A_54, %mul3A_117 : i32
        %get3A_119 = arith.constant 9 : i32
        %get3A_120 = arith.index_cast %get3A_119 : i32 to index
        %get3A_121 = arith.index_cast %mul3A_118 : i32 to index
        %get3A_122 = tpu.vector_load %arg9[%get3A_120, %get3A_121] {strides = array<i32>} : memref<16x128xf32, #tpu.memory_space<vmem>>, vector<16xf32>,
        %add3A_123 = arith.addf %add3A_116, %get3A_122 : vector<16xf32>
        %mul3A_124 = arith.constant 16 : i32
        %mul3A_125 = arith.muli %scan3A_54, %mul3A_124 : i32
        %get3A_126 = arith.constant 10 : i32
        %get3A_127 = arith.index_cast %get3A_126 : i32 to index
        %get3A_128 = arith.index_cast %mul3A_125 : i32 to index
        %get3A_129 = tpu.vector_load %arg9[%get3A_127, %get3A_128] {strides = array<i32>} : memref<16x128xf32, #tpu.memory_space<vmem>>, vector<16xf32>,
        %add3A_130 = arith.addf %add3A_123, %get3A_129 : vector<16xf32>
        %mul3A_131 = arith.constant 16 : i32
        %mul3A_132 = arith.muli %scan3A_54, %mul3A_131 : i32
        %get3A_133 = arith.constant 11 : i32
        %get3A_134 = arith.index_cast %get3A_133 : i32 to index
        %get3A_135 = arith.index_cast %mul3A_132 : i32 to index
        %get3A_136 = tpu.vector_load %arg9[%get3A_134, %get3A_135] {strides = array<i32>} : memref<16x128xf32, #tpu.memory_space<vmem>>, vector<16xf32>,
        %add3A_137 = arith.addf %add3A_130, %get3A_136 : vector<16xf32>
        %mul3A_138 = arith.constant 16 : i32
        %mul3A_139 = arith.muli %scan3A_54, %mul3A_138 : i32
        %get3A_140 = arith.constant 12 : i32
        %get3A_141 = arith.index_cast %get3A_140 : i32 to index
        %get3A_142 = arith.index_cast %mul3A_139 : i32 to index
        %get3A_143 = tpu.vector_load %arg9[%get3A_141, %get3A_142] {strides = array<i32>} : memref<16x128xf32, #tpu.memory_space<vmem>>, vector<16xf32>,
        %add3A_144 = arith.addf %add3A_137, %get3A_143 : vector<16xf32>
        %mul3A_145 = arith.constant 16 : i32
        %mul3A_146 = arith.muli %scan3A_54, %mul3A_145 : i32
        %get3A_147 = arith.constant 13 : i32
        %get3A_148 = arith.index_cast %get3A_147 : i32 to index
        %get3A_149 = arith.index_cast %mul3A_146 : i32 to index
        %get3A_150 = tpu.vector_load %arg9[%get3A_148, %get3A_149] {strides = array<i32>} : memref<16x128xf32, #tpu.memory_space<vmem>>, vector<16xf32>,
        %add3A_151 = arith.addf %add3A_144, %get3A_150 : vector<16xf32>
        %mul3A_152 = arith.constant 16 : i32
        %mul3A_153 = arith.muli %scan3A_54, %mul3A_152 : i32
        %get3A_154 = arith.constant 14 : i32
        %get3A_155 = arith.index_cast %get3A_154 : i32 to index
        %get3A_156 = arith.index_cast %mul3A_153 : i32 to index
        %get3A_157 = tpu.vector_load %arg9[%get3A_155, %get3A_156] {strides = array<i32>} : memref<16x128xf32, #tpu.memory_space<vmem>>, vector<16xf32>,
        %add3A_158 = arith.addf %add3A_151, %get3A_157 : vector<16xf32>
        %mul3A_159 = arith.constant 16 : i32
        %mul3A_160 = arith.muli %scan3A_54, %mul3A_159 : i32
        %get3A_161 = arith.constant 15 : i32
        %get3A_162 = arith.index_cast %get3A_161 : i32 to index
        %get3A_163 = arith.index_cast %mul3A_160 : i32 to index
        %get3A_164 = tpu.vector_load %arg9[%get3A_162, %get3A_163] {strides = array<i32>} : memref<16x128xf32, #tpu.memory_space<vmem>>, vector<16xf32>,
        %add3A_165 = arith.addf %add3A_158, %get3A_164 : vector<16xf32>
        %mul3A_166 = arith.constant 16 : i32
        %mul3A_167 = arith.muli %scan3A_54, %mul3A_166 : i32
        %swap3A = arith.index_cast %mul3A_167 : i32 to index
        %swap3A_168 = tpu.vector_load %arg10[%swap3A] {strides = array<i32>} : memref<128xf32, #tpu.memory_space<vmem>>, vector<16xf32>,
        tpu.vector_store %arg10[%swap3A], %add3A_165 {strides = array<i32>} : memref<128xf32, #tpu.memory_space<vmem>>, vector<16xf32>,
        %scan3A_169 = arith.constant 0 : i32
        scf.yield %scan3A_169 : i32
      }
      %scan3A_51 = arith.constant 8 : i32
      %mul3A_52 = arith.constant 128 : i32
      %mul3A_53 = arith.muli %arg1, %mul3A_52 : i32
      "tpu.region"() ({
        %run_scoped3A = tpu.sem_alloc : memref<!tpu.dma_semaphore, #tpu.memory_space<semaphore_mem>>
        %dma_start3A_54 = tpu.memref_slice %arg4[%arg0, %mul3A_53] : memref<2x1024xf32, #tpu.memory_space<hbm>> -> memref<1x128xf32, #tpu.memory_space<hbm>>
        %dma_start3A_55 = tpu.memref_squeeze %dma_start3A_54 : memref<1x128xf32, #tpu.memory_space<hbm>> -> memref<128xf32, #tpu.memory_space<hbm>>
        %dma_start3A_56 = tpu.memref_slice %arg4[%arg0, %mul3A_53] : memref<2x1024xf32, #tpu.memory_space<hbm>> -> memref<1x128xf32, #tpu.memory_space<hbm>>
        %dma_start3A_57 = tpu.memref_squeeze %dma_start3A_56 : memref<1x128xf32, #tpu.memory_space<hbm>> -> memref<128xf32, #tpu.memory_space<hbm>>
        tpu.enqueue_dma source(%arg10 : memref<128xf32, #tpu.memory_space<vmem>>) target(%dma_start3A_57 : memref<128xf32, #tpu.memory_space<hbm>>) target_semaphore(%run_scoped3A : memref<!tpu.dma_semaphore, #tpu.memory_space<semaphore_mem>>)
        %dma_wait3A_58 = tpu.memref_slice %arg4[%arg0, %mul3A_53] : memref<2x1024xf32, #tpu.memory_space<hbm>> -> memref<1x128xf32, #tpu.memory_space<hbm>>
        %dma_wait3A_59 = tpu.memref_squeeze %dma_wait3A_58 : memref<1x128xf32, #tpu.memory_space<hbm>> -> memref<128xf32, #tpu.memory_space<hbm>>
        %dma_wait3A_60 = tpu.memref_slice %arg4[%arg0, %mul3A_53] : memref<2x1024xf32, #tpu.memory_space<hbm>> -> memref<1x128xf32, #tpu.memory_space<hbm>>
        %dma_wait3A_61 = tpu.memref_squeeze %dma_wait3A_60 : memref<1x128xf32, #tpu.memory_space<hbm>> -> memref<128xf32, #tpu.memory_space<hbm>>
        tpu.wait_dma2 semaphore(%run_scoped3A : memref<!tpu.dma_semaphore, #tpu.memory_space<semaphore_mem>>) src(%arg10 : memref<128xf32, #tpu.memory_space<vmem>>) dst(%dma_wait3A_61 : memref<128xf32, #tpu.memory_space<hbm>>)
        tpu.yield
      }) : () -> ()
    } else {
    }
    return
  }
}

module attributes {stable_mosaic.version = 14 : i64} {
  func.func @_mlp_body(%arg0: i32, %arg1: memref<6400x128xf32, #tpu.memory_space<vmem>>, %arg2: memref<6400x128xf32, #tpu.memory_space<vmem>>, %arg3: memref<128x128xf32, #tpu.memory_space<vmem>>, %arg4: memref<128x1xf32, #tpu.memory_space<vmem>>, %arg5: memref<1x128xf32, #tpu.memory_space<vmem>>, %arg6: memref<1x1xf32, #tpu.memory_space<vmem>>, %arg7: memref<2x1x1x6400xf32, #tpu.memory_space<vmem>>) attributes {dimension_semantics = [#tpu.dimension_semantics<arbitrary>], iteration_bounds = array<i64: 10>, scalar_prefetch = 0 : i64, scratch_operands = 0 : i64, tpu.core_type = #tpu.core_type<tc>, window_params = [{transform_indices = @transform_0, window_bounds = array<i64: 6400, 128>}, {transform_indices = @transform_1, window_bounds = array<i64: 6400, 128>}, {pipeline_mode = #tpu.pipeline_mode<synchronous>, transform_indices = @transform_2, window_bounds = array<i64: 128, 128>}, {pipeline_mode = #tpu.pipeline_mode<synchronous>, transform_indices = @transform_3, window_bounds = array<i64: 128, 1>}, {pipeline_mode = #tpu.pipeline_mode<synchronous>, transform_indices = @transform_4, window_bounds = array<i64: 1, 128>}, {pipeline_mode = #tpu.pipeline_mode<synchronous>, transform_indices = @transform_5, window_bounds = array<i64: 1, 1>}, {transform_indices = @transform_6, window_bounds = array<i64: 2, 1, 1, 6400>}]} {
    %get3A = arith.constant 0 : index
    %get3A_0 = arith.constant 0 : index
    %get3A_1 = vector.load %arg1[%get3A, %get3A_0] : memref<6400x128xf32, #tpu.memory_space<vmem>>, vector<6400x128xf32>
    %transpose3A = tpu.transpose %get3A_1, [1, 0] : vector<6400x128xf32> -> vector<128x6400xf32>
    %get3A_2 = arith.constant 0 : index
    %get3A_3 = arith.constant 0 : index
    %get3A_4 = vector.load %arg3[%get3A_2, %get3A_3] : memref<128x128xf32, #tpu.memory_space<vmem>>, vector<128x128xf32>
    %dot_general3A = arith.constant dense<0.000000e+00> : vector<128x6400xf32>
    %dot_general3A_5 = tpu.matmul %get3A_4, %transpose3A, %dot_general3A {dimension_numbers = #tpu.dot_dimension_numbers<[1], [0], [0], [1], [0, 0, 1, 1], [], []>, transpose_lhs_hint = false} : vector<128x128xf32>, vector<128x6400xf32>, vector<128x6400xf32> -> vector<128x6400xf32>
    %get3A_6 = arith.constant 0 : index
    %get3A_7 = arith.constant 0 : index
    %get3A_8 = vector.load %arg4[%get3A_6, %get3A_7] : memref<128x1xf32, #tpu.memory_space<vmem>>, vector<128x1xf32>
    %add3A = vector.broadcast %get3A_8 : vector<128x1xf32> to vector<128x6400xf32>
    %add3A_9 = arith.addf %dot_general3A_5, %add3A : vector<128x6400xf32>
    %logistic3A = arith.negf %add3A_9 : vector<128x6400xf32>
    %logistic3A_10 = math.exp %logistic3A : vector<128x6400xf32>
    %logistic3A_11 = arith.constant 1.000000e+00 : f32
    %logistic3A_12 = vector.broadcast %logistic3A_11 : f32 to vector<128x6400xf32>
    %logistic3A_13 = arith.addf %logistic3A_12, %logistic3A_10 : vector<128x6400xf32>
    %logistic3A_14 = arith.divf %logistic3A_12, %logistic3A_13 : vector<128x6400xf32>
    %mul3A = arith.mulf %add3A_9, %logistic3A_14 : vector<128x6400xf32>
    %get3A_15 = arith.constant 0 : index
    %get3A_16 = arith.constant 0 : index
    %get3A_17 = vector.load %arg5[%get3A_15, %get3A_16] : memref<1x128xf32, #tpu.memory_space<vmem>>, vector<1x128xf32>
    %dot_general3A_18 = arith.constant dense<0.000000e+00> : vector<1x6400xf32>
    %dot_general3A_19 = tpu.matmul %get3A_17, %mul3A, %dot_general3A_18 {dimension_numbers = #tpu.dot_dimension_numbers<[1], [0], [0], [1], [0, 0, 1, 1], [], []>, transpose_lhs_hint = false} : vector<1x128xf32>, vector<128x6400xf32>, vector<1x6400xf32> -> vector<1x6400xf32>
    %get3A_20 = arith.constant 0 : index
    %get3A_21 = arith.constant 0 : index
    %get3A_22 = vector.load %arg6[%get3A_20, %get3A_21] : memref<1x1xf32, #tpu.memory_space<vmem>>, vector<1x1xf32>
    %get3A_23 = vector.extract %get3A_22[0, 0] : f32 from vector<1x1xf32>
    %add3A_24 = vector.broadcast %get3A_23 : f32 to vector<1x6400xf32>
    %add3A_25 = arith.addf %dot_general3A_19, %add3A_24 : vector<1x6400xf32>
    %squeeze3A = vector.shape_cast %add3A_25 : vector<1x6400xf32> to vector<6400xf32>
    %swap3A = arith.constant 0 : index
    %swap3A_26 = arith.constant 0 : index
    %swap3A_27 = arith.constant 0 : index
    %swap3A_28 = arith.constant 0 : index
    %swap3A_29 = vector.load %arg7[%swap3A, %swap3A_26, %swap3A_27, %swap3A_28] : memref<2x1x1x6400xf32, #tpu.memory_space<vmem>>, vector<1x1x1x6400xf32>
    %swap3A_30 = vector.shape_cast %swap3A_29 : vector<1x1x1x6400xf32> to vector<6400xf32>
    %swap3A_31 = vector.shape_cast %squeeze3A : vector<6400xf32> to vector<1x1x1x6400xf32>
    tpu.vector_store %arg7[%swap3A, %swap3A_26, %swap3A_27, %swap3A_28], %swap3A_31 {strides = array<i32>} : memref<2x1x1x6400xf32, #tpu.memory_space<vmem>>, vector<1x1x1x6400xf32>,
    %get3A_32 = arith.constant 0 : index
    %get3A_33 = arith.constant 0 : index
    %get3A_34 = vector.load %arg2[%get3A_32, %get3A_33] : memref<6400x128xf32, #tpu.memory_space<vmem>>, vector<6400x128xf32>
    %transpose3A_35 = tpu.transpose %get3A_34, [1, 0] : vector<6400x128xf32> -> vector<128x6400xf32>
    %get3A_36 = arith.constant 0 : index
    %get3A_37 = arith.constant 0 : index
    %get3A_38 = vector.load %arg3[%get3A_36, %get3A_37] : memref<128x128xf32, #tpu.memory_space<vmem>>, vector<128x128xf32>
    %dot_general3A_39 = arith.constant dense<0.000000e+00> : vector<128x6400xf32>
    %dot_general3A_40 = tpu.matmul %get3A_38, %transpose3A_35, %dot_general3A_39 {dimension_numbers = #tpu.dot_dimension_numbers<[1], [0], [0], [1], [0, 0, 1, 1], [], []>, transpose_lhs_hint = false} : vector<128x128xf32>, vector<128x6400xf32>, vector<128x6400xf32> -> vector<128x6400xf32>
    %get3A_41 = arith.constant 0 : index
    %get3A_42 = arith.constant 0 : index
    %get3A_43 = vector.load %arg4[%get3A_41, %get3A_42] : memref<128x1xf32, #tpu.memory_space<vmem>>, vector<128x1xf32>
    %add3A_44 = vector.broadcast %get3A_43 : vector<128x1xf32> to vector<128x6400xf32>
    %add3A_45 = arith.addf %dot_general3A_40, %add3A_44 : vector<128x6400xf32>
    %logistic3A_46 = arith.negf %add3A_45 : vector<128x6400xf32>
    %logistic3A_47 = math.exp %logistic3A_46 : vector<128x6400xf32>
    %logistic3A_48 = arith.constant 1.000000e+00 : f32
    %logistic3A_49 = vector.broadcast %logistic3A_48 : f32 to vector<128x6400xf32>
    %logistic3A_50 = arith.addf %logistic3A_49, %logistic3A_47 : vector<128x6400xf32>
    %logistic3A_51 = arith.divf %logistic3A_49, %logistic3A_50 : vector<128x6400xf32>
    %mul3A_52 = arith.mulf %add3A_45, %logistic3A_51 : vector<128x6400xf32>
    %get3A_53 = arith.constant 0 : index
    %get3A_54 = arith.constant 0 : index
    %get3A_55 = vector.load %arg5[%get3A_53, %get3A_54] : memref<1x128xf32, #tpu.memory_space<vmem>>, vector<1x128xf32>
    %dot_general3A_56 = arith.constant dense<0.000000e+00> : vector<1x6400xf32>
    %dot_general3A_57 = tpu.matmul %get3A_55, %mul3A_52, %dot_general3A_56 {dimension_numbers = #tpu.dot_dimension_numbers<[1], [0], [0], [1], [0, 0, 1, 1], [], []>, transpose_lhs_hint = false} : vector<1x128xf32>, vector<128x6400xf32>, vector<1x6400xf32> -> vector<1x6400xf32>
    %get3A_58 = arith.constant 0 : index
    %get3A_59 = arith.constant 0 : index
    %get3A_60 = vector.load %arg6[%get3A_58, %get3A_59] : memref<1x1xf32, #tpu.memory_space<vmem>>, vector<1x1xf32>
    %get3A_61 = vector.extract %get3A_60[0, 0] : f32 from vector<1x1xf32>
    %add3A_62 = vector.broadcast %get3A_61 : f32 to vector<1x6400xf32>
    %add3A_63 = arith.addf %dot_general3A_57, %add3A_62 : vector<1x6400xf32>
    %squeeze3A_64 = vector.shape_cast %add3A_63 : vector<1x6400xf32> to vector<6400xf32>
    %swap3A_65 = arith.constant 1 : index
    %swap3A_66 = arith.constant 0 : index
    %swap3A_67 = arith.constant 0 : index
    %swap3A_68 = arith.constant 0 : index
    %swap3A_69 = vector.load %arg7[%swap3A_65, %swap3A_66, %swap3A_67, %swap3A_68] : memref<2x1x1x6400xf32, #tpu.memory_space<vmem>>, vector<1x1x1x6400xf32>
    %swap3A_70 = vector.shape_cast %swap3A_69 : vector<1x1x1x6400xf32> to vector<6400xf32>
    %swap3A_71 = vector.shape_cast %squeeze3A_64 : vector<6400xf32> to vector<1x1x1x6400xf32>
    tpu.vector_store %arg7[%swap3A_65, %swap3A_66, %swap3A_67, %swap3A_68], %swap3A_71 {strides = array<i32>} : memref<2x1x1x6400xf32, #tpu.memory_space<vmem>>, vector<1x1x1x6400xf32>,
    return
  }
  func.func @transform_0(%arg0: i32) -> (i32, i32) {
    %add3A = arith.constant 30 : i32
    %add3A_0 = arith.addi %add3A, %arg0 : i32
    %add3A_1 = arith.constant 0 : i32
    %add3A_2 = arith.addi %add3A_0, %add3A_1 : i32
    %c0_i32 = arith.constant 0 : i32
    %c0_i32_3 = arith.constant 0 : i32
    return %add3A_2, %c0_i32 : i32, i32
  }
  func.func @transform_1(%arg0: i32) -> (i32, i32) {
    %add3A = arith.constant 30 : i32
    %add3A_0 = arith.addi %add3A, %arg0 : i32
    %add3A_1 = arith.constant 10 : i32
    %add3A_2 = arith.addi %add3A_0, %add3A_1 : i32
    %c0_i32 = arith.constant 0 : i32
    %c0_i32_3 = arith.constant 0 : i32
    return %add3A_2, %c0_i32 : i32, i32
  }
  func.func @transform_2(%arg0: i32) -> (i32, i32) {
    %c0_i32 = arith.constant 0 : i32
    %c0_i32_0 = arith.constant 0 : i32
    %c0_i32_1 = arith.constant 0 : i32
    return %c0_i32, %c0_i32_0 : i32, i32
  }
  func.func @transform_3(%arg0: i32) -> (i32, i32) {
    %c0_i32 = arith.constant 0 : i32
    %c0_i32_0 = arith.constant 0 : i32
    %c0_i32_1 = arith.constant 0 : i32
    return %c0_i32, %c0_i32_0 : i32, i32
  }
  func.func @transform_4(%arg0: i32) -> (i32, i32) {
    %c0_i32 = arith.constant 0 : i32
    %c0_i32_0 = arith.constant 0 : i32
    %c0_i32_1 = arith.constant 0 : i32
    return %c0_i32, %c0_i32_0 : i32, i32
  }
  func.func @transform_5(%arg0: i32) -> (i32, i32) {
    %c0_i32 = arith.constant 0 : i32
    %c0_i32_0 = arith.constant 0 : i32
    %c0_i32_1 = arith.constant 0 : i32
    return %c0_i32, %c0_i32_0 : i32, i32
  }
  func.func @transform_6(%arg0: i32) -> (i32, i32, i32, i32) {
    %c0_i32 = arith.constant 0 : i32
    %c0_i32_0 = arith.constant 0 : i32
    %c0_i32_1 = arith.constant 0 : i32
    %c0_i32_2 = arith.constant 0 : i32
    return %c0_i32, %arg0, %c0_i32_0, %c0_i32_1 : i32, i32, i32, i32
  }
}

module attributes {stable_mosaic.version = 14 : i64} {
  func.func @_mlp_body(%arg0: i32, %arg1: memref<6400x128xf32, #tpu.memory_space<vmem>>, %arg2: memref<6400x128xf32, #tpu.memory_space<vmem>>, %arg3: memref<128x128xf32, #tpu.memory_space<vmem>>, %arg4: memref<128x1xf32, #tpu.memory_space<vmem>>, %arg5: memref<1x128xf32, #tpu.memory_space<vmem>>, %arg6: memref<1x1xf32, #tpu.memory_space<vmem>>, %arg7: memref<2x1x1x6400xf32, #tpu.memory_space<vmem>>) attributes {dimension_semantics = [#tpu.dimension_semantics<arbitrary>], iteration_bounds = array<i64: 15>, scalar_prefetch = 0 : i64, scratch_operands = 0 : i64, tpu.core_type = #tpu.core_type<tc>, window_params = [{transform_indices = @transform_0, window_bounds = array<i64: 6400, 128>}, {transform_indices = @transform_1, window_bounds = array<i64: 6400, 128>}, {pipeline_mode = #tpu.pipeline_mode<synchronous>, transform_indices = @transform_2, window_bounds = array<i64: 128, 128>}, {pipeline_mode = #tpu.pipeline_mode<synchronous>, transform_indices = @transform_3, window_bounds = array<i64: 128, 1>}, {pipeline_mode = #tpu.pipeline_mode<synchronous>, transform_indices = @transform_4, window_bounds = array<i64: 1, 128>}, {pipeline_mode = #tpu.pipeline_mode<synchronous>, transform_indices = @transform_5, window_bounds = array<i64: 1, 1>}, {transform_indices = @transform_6, window_bounds = array<i64: 2, 1, 1, 6400>}]} {
    %get3A = arith.constant 0 : index
    %get3A_0 = arith.constant 0 : index
    %get3A_1 = vector.load %arg1[%get3A, %get3A_0] : memref<6400x128xf32, #tpu.memory_space<vmem>>, vector<6400x128xf32>
    %transpose3A = tpu.transpose %get3A_1, [1, 0] : vector<6400x128xf32> -> vector<128x6400xf32>
    %get3A_2 = arith.constant 0 : index
    %get3A_3 = arith.constant 0 : index
    %get3A_4 = vector.load %arg3[%get3A_2, %get3A_3] : memref<128x128xf32, #tpu.memory_space<vmem>>, vector<128x128xf32>
    %dot_general3A = arith.constant dense<0.000000e+00> : vector<128x6400xf32>
    %dot_general3A_5 = tpu.matmul %get3A_4, %transpose3A, %dot_general3A {dimension_numbers = #tpu.dot_dimension_numbers<[1], [0], [0], [1], [0, 0, 1, 1], [], []>, transpose_lhs_hint = false} : vector<128x128xf32>, vector<128x6400xf32>, vector<128x6400xf32> -> vector<128x6400xf32>
    %get3A_6 = arith.constant 0 : index
    %get3A_7 = arith.constant 0 : index
    %get3A_8 = vector.load %arg4[%get3A_6, %get3A_7] : memref<128x1xf32, #tpu.memory_space<vmem>>, vector<128x1xf32>
    %add3A = vector.broadcast %get3A_8 : vector<128x1xf32> to vector<128x6400xf32>
    %add3A_9 = arith.addf %dot_general3A_5, %add3A : vector<128x6400xf32>
    %logistic3A = arith.negf %add3A_9 : vector<128x6400xf32>
    %logistic3A_10 = math.exp %logistic3A : vector<128x6400xf32>
    %logistic3A_11 = arith.constant 1.000000e+00 : f32
    %logistic3A_12 = vector.broadcast %logistic3A_11 : f32 to vector<128x6400xf32>
    %logistic3A_13 = arith.addf %logistic3A_12, %logistic3A_10 : vector<128x6400xf32>
    %logistic3A_14 = arith.divf %logistic3A_12, %logistic3A_13 : vector<128x6400xf32>
    %mul3A = arith.mulf %add3A_9, %logistic3A_14 : vector<128x6400xf32>
    %get3A_15 = arith.constant 0 : index
    %get3A_16 = arith.constant 0 : index
    %get3A_17 = vector.load %arg5[%get3A_15, %get3A_16] : memref<1x128xf32, #tpu.memory_space<vmem>>, vector<1x128xf32>
    %dot_general3A_18 = arith.constant dense<0.000000e+00> : vector<1x6400xf32>
    %dot_general3A_19 = tpu.matmul %get3A_17, %mul3A, %dot_general3A_18 {dimension_numbers = #tpu.dot_dimension_numbers<[1], [0], [0], [1], [0, 0, 1, 1], [], []>, transpose_lhs_hint = false} : vector<1x128xf32>, vector<128x6400xf32>, vector<1x6400xf32> -> vector<1x6400xf32>
    %get3A_20 = arith.constant 0 : index
    %get3A_21 = arith.constant 0 : index
    %get3A_22 = vector.load %arg6[%get3A_20, %get3A_21] : memref<1x1xf32, #tpu.memory_space<vmem>>, vector<1x1xf32>
    %get3A_23 = vector.extract %get3A_22[0, 0] : f32 from vector<1x1xf32>
    %add3A_24 = vector.broadcast %get3A_23 : f32 to vector<1x6400xf32>
    %add3A_25 = arith.addf %dot_general3A_19, %add3A_24 : vector<1x6400xf32>
    %squeeze3A = vector.shape_cast %add3A_25 : vector<1x6400xf32> to vector<6400xf32>
    %swap3A = arith.constant 0 : index
    %swap3A_26 = arith.constant 0 : index
    %swap3A_27 = arith.constant 0 : index
    %swap3A_28 = arith.constant 0 : index
    %swap3A_29 = vector.load %arg7[%swap3A, %swap3A_26, %swap3A_27, %swap3A_28] : memref<2x1x1x6400xf32, #tpu.memory_space<vmem>>, vector<1x1x1x6400xf32>
    %swap3A_30 = vector.shape_cast %swap3A_29 : vector<1x1x1x6400xf32> to vector<6400xf32>
    %swap3A_31 = vector.shape_cast %squeeze3A : vector<6400xf32> to vector<1x1x1x6400xf32>
    tpu.vector_store %arg7[%swap3A, %swap3A_26, %swap3A_27, %swap3A_28], %swap3A_31 {strides = array<i32>} : memref<2x1x1x6400xf32, #tpu.memory_space<vmem>>, vector<1x1x1x6400xf32>,
    %get3A_32 = arith.constant 0 : index
    %get3A_33 = arith.constant 0 : index
    %get3A_34 = vector.load %arg2[%get3A_32, %get3A_33] : memref<6400x128xf32, #tpu.memory_space<vmem>>, vector<6400x128xf32>
    %transpose3A_35 = tpu.transpose %get3A_34, [1, 0] : vector<6400x128xf32> -> vector<128x6400xf32>
    %get3A_36 = arith.constant 0 : index
    %get3A_37 = arith.constant 0 : index
    %get3A_38 = vector.load %arg3[%get3A_36, %get3A_37] : memref<128x128xf32, #tpu.memory_space<vmem>>, vector<128x128xf32>
    %dot_general3A_39 = arith.constant dense<0.000000e+00> : vector<128x6400xf32>
    %dot_general3A_40 = tpu.matmul %get3A_38, %transpose3A_35, %dot_general3A_39 {dimension_numbers = #tpu.dot_dimension_numbers<[1], [0], [0], [1], [0, 0, 1, 1], [], []>, transpose_lhs_hint = false} : vector<128x128xf32>, vector<128x6400xf32>, vector<128x6400xf32> -> vector<128x6400xf32>
    %get3A_41 = arith.constant 0 : index
    %get3A_42 = arith.constant 0 : index
    %get3A_43 = vector.load %arg4[%get3A_41, %get3A_42] : memref<128x1xf32, #tpu.memory_space<vmem>>, vector<128x1xf32>
    %add3A_44 = vector.broadcast %get3A_43 : vector<128x1xf32> to vector<128x6400xf32>
    %add3A_45 = arith.addf %dot_general3A_40, %add3A_44 : vector<128x6400xf32>
    %logistic3A_46 = arith.negf %add3A_45 : vector<128x6400xf32>
    %logistic3A_47 = math.exp %logistic3A_46 : vector<128x6400xf32>
    %logistic3A_48 = arith.constant 1.000000e+00 : f32
    %logistic3A_49 = vector.broadcast %logistic3A_48 : f32 to vector<128x6400xf32>
    %logistic3A_50 = arith.addf %logistic3A_49, %logistic3A_47 : vector<128x6400xf32>
    %logistic3A_51 = arith.divf %logistic3A_49, %logistic3A_50 : vector<128x6400xf32>
    %mul3A_52 = arith.mulf %add3A_45, %logistic3A_51 : vector<128x6400xf32>
    %get3A_53 = arith.constant 0 : index
    %get3A_54 = arith.constant 0 : index
    %get3A_55 = vector.load %arg5[%get3A_53, %get3A_54] : memref<1x128xf32, #tpu.memory_space<vmem>>, vector<1x128xf32>
    %dot_general3A_56 = arith.constant dense<0.000000e+00> : vector<1x6400xf32>
    %dot_general3A_57 = tpu.matmul %get3A_55, %mul3A_52, %dot_general3A_56 {dimension_numbers = #tpu.dot_dimension_numbers<[1], [0], [0], [1], [0, 0, 1, 1], [], []>, transpose_lhs_hint = false} : vector<1x128xf32>, vector<128x6400xf32>, vector<1x6400xf32> -> vector<1x6400xf32>
    %get3A_58 = arith.constant 0 : index
    %get3A_59 = arith.constant 0 : index
    %get3A_60 = vector.load %arg6[%get3A_58, %get3A_59] : memref<1x1xf32, #tpu.memory_space<vmem>>, vector<1x1xf32>
    %get3A_61 = vector.extract %get3A_60[0, 0] : f32 from vector<1x1xf32>
    %add3A_62 = vector.broadcast %get3A_61 : f32 to vector<1x6400xf32>
    %add3A_63 = arith.addf %dot_general3A_57, %add3A_62 : vector<1x6400xf32>
    %squeeze3A_64 = vector.shape_cast %add3A_63 : vector<1x6400xf32> to vector<6400xf32>
    %swap3A_65 = arith.constant 1 : index
    %swap3A_66 = arith.constant 0 : index
    %swap3A_67 = arith.constant 0 : index
    %swap3A_68 = arith.constant 0 : index
    %swap3A_69 = vector.load %arg7[%swap3A_65, %swap3A_66, %swap3A_67, %swap3A_68] : memref<2x1x1x6400xf32, #tpu.memory_space<vmem>>, vector<1x1x1x6400xf32>
    %swap3A_70 = vector.shape_cast %swap3A_69 : vector<1x1x1x6400xf32> to vector<6400xf32>
    %swap3A_71 = vector.shape_cast %squeeze3A_64 : vector<6400xf32> to vector<1x1x1x6400xf32>
    tpu.vector_store %arg7[%swap3A_65, %swap3A_66, %swap3A_67, %swap3A_68], %swap3A_71 {strides = array<i32>} : memref<2x1x1x6400xf32, #tpu.memory_space<vmem>>, vector<1x1x1x6400xf32>,
    return
  }
  func.func @transform_0(%arg0: i32) -> (i32, i32) {
    %add3A = arith.constant 0 : i32
    %add3A_0 = arith.addi %add3A, %arg0 : i32
    %add3A_1 = arith.constant 0 : i32
    %add3A_2 = arith.addi %add3A_0, %add3A_1 : i32
    %c0_i32 = arith.constant 0 : i32
    %c0_i32_3 = arith.constant 0 : i32
    return %add3A_2, %c0_i32 : i32, i32
  }
  func.func @transform_1(%arg0: i32) -> (i32, i32) {
    %add3A = arith.constant 0 : i32
    %add3A_0 = arith.addi %add3A, %arg0 : i32
    %add3A_1 = arith.constant 15 : i32
    %add3A_2 = arith.addi %add3A_0, %add3A_1 : i32
    %c0_i32 = arith.constant 0 : i32
    %c0_i32_3 = arith.constant 0 : i32
    return %add3A_2, %c0_i32 : i32, i32
  }
  func.func @transform_2(%arg0: i32) -> (i32, i32) {
    %c0_i32 = arith.constant 0 : i32
    %c0_i32_0 = arith.constant 0 : i32
    %c0_i32_1 = arith.constant 0 : i32
    return %c0_i32, %c0_i32_0 : i32, i32
  }
  func.func @transform_3(%arg0: i32) -> (i32, i32) {
    %c0_i32 = arith.constant 0 : i32
    %c0_i32_0 = arith.constant 0 : i32
    %c0_i32_1 = arith.constant 0 : i32
    return %c0_i32, %c0_i32_0 : i32, i32
  }
  func.func @transform_4(%arg0: i32) -> (i32, i32) {
    %c0_i32 = arith.constant 0 : i32
    %c0_i32_0 = arith.constant 0 : i32
    %c0_i32_1 = arith.constant 0 : i32
    return %c0_i32, %c0_i32_0 : i32, i32
  }
  func.func @transform_5(%arg0: i32) -> (i32, i32) {
    %c0_i32 = arith.constant 0 : i32
    %c0_i32_0 = arith.constant 0 : i32
    %c0_i32_1 = arith.constant 0 : i32
    return %c0_i32, %c0_i32_0 : i32, i32
  }
  func.func @transform_6(%arg0: i32) -> (i32, i32, i32, i32) {
    %c0_i32 = arith.constant 0 : i32
    %c0_i32_0 = arith.constant 0 : i32
    %c0_i32_1 = arith.constant 0 : i32
    %c0_i32_2 = arith.constant 0 : i32
    return %c0_i32, %arg0, %c0_i32_0, %c0_i32_1 : i32, i32, i32, i32
  }
}

</mosaic_0001>

<sc_bundles>
// kernel: kernel.6.cloned.1.call-start
scs
__scs_entry_jumppad:
0x0: {  	(pc) =	sbr.rel $0x88, $3  }
0x1: {  	(tag) =	ssettag $0x0;
	lr =	simm.s32 $0x1  }
0x2: {  	[smem:$0x3F9B] =	sst lr;
	_ =	strace $0xD0000000  }
0x3: {  	_ = 	snop  }
0x4: {  	_ = 	snop  }
0x5: {  	_ = 	snop  }
0x6: {  	_ = 	snop  }
0x7: {  	_ = 	snop  }
__scs_overlays_trampoline_lowered:
0x8: {  	[smem:$0x3FAA] =	sst s0  }
0x9: {  	[smem:$0x3FAB] =	sst s1  }
0xa: {  	[smem:$0x3FAC] =	sst s2  }
0xb: {  	[smem:$0x3FAD] =	sst s3  }
0xc: {  	[smem:$0x3FAE] =	sst s4  }
0xd: {  	[smem:$0x3FAF] =	sst s5  }
0xe: {  	[smem:$0x3FB0] =	sst s6  }
0xf: {  	[smem:$0x3FB1] =	sst s7  }
0x10: {  	[smem:$0x3FB2] =	sst s8  }
0x11: {  	[smem:$0x3FB3] =	sst s9;
	s0 =	simm.s32 @!p0 $0x0  }
0x12: {  	s1 =	sld [smem:$0x3F99];
	s0 =	simm.s32 @p0 $0x1  }
0x13: {  	[smem:$0x3FB4] =	sst s0;
	s0 =	simm.s32 @!p1 $0x0  }
0x14: {  	s2 =	sld [smem:$0x3F98];
	s0 =	simm.s32 @p1 $0x1  }
0x15: {  	[smem:$0x3FB5] =	sst s0;
	s0 =	simm.s32 @!p2 $0x0  }
0x16: {  	s3 =	sld [smem:$0x3FDB];
	s0 =	simm.s32 @p2 $0x1  }
0x17: {  	s4 =	simm.s32 $0x1BF5;
	[smem:$0x3FB7] =	sst s0  }
0x18: {  	s0 =	sld [smem:$0x3F9A];
	_ =	swait.ge [sflag:s4], $0x0  }
0x19: {  	s7 =	sld [smem:$0x3F9B]  }
0x1a: {  	s8 =	sadd.s32 $0xFFFFE003, lr  }
0x1b: {  	s9 =	sadd.s32 $0xFFFFFEF7, lr;
	s5 =	simm.s32 $0xFFFFFFFF;
	p2 =	slt.u32 s8, $0xFFFFF086  }
0x1c: {  	p1 =	slt.u32 s9, $0xF7A;
	s5 =	simm.s32 @!p2 $0x0  }
0x1d: {  	s5 =	simm.s32 @p1 $0x1;
	p0 =	seq.s32 s7, s2  }
0x1e: {  	s7 =	smul.u32 @!p0 $0xF7A, s2;
	p2 =	seq.s32 @!p0 s5, $0x0  }
0x1f: {  	s9 =	smul.u32 $0xF7A, s1;
	s8 =	simm.s32 @!p0 $0x1BF5;
	p2 =	por !p2, p0  }
0x20: {  	[sflag:s8] =	ssyncset.s32 @!p0 $0xFFFFF086;
	s6 =	sadd.s32 @!p0 s3, s7;
	s7 =	simm.s32 @!p0 $0x108  }
0x21: {  	s3 =	sadd.s32 s3, s9;
	s6 =	sadd.s32 @!p0 $0x88, s6;
	s7 =	simm.s32 @p2 $0x1082  }
0x22: {  	[simem:s7], [sflag:s8] =	dma.local @!p0 [hbm:s6], $0xF7A  }
0x23: {  	s9 =	sor.u32 $0xD0000000, s2;
	s6 =	simm.s32 $0x108;
	_ =	swait.ge @!p0 [sflag:s8], $0x0  }
0x24: {  	s3 =	sadd.s32 $0x88, s3;
	s6 =	simm.s32 @!p1 $0x1082;
	[sflag:s4] =	ssyncset.s32 $0xFFFFF086  }
0x25: {  	[simem:s6], [sflag:s4] =	dma.local [hbm:s3], $0xF7A  }
0x26: {  	[smem:$0x3F9B] =	sst s1;
	(tag) =	ssettag s2;
	_ =	strace s9  }
0x27: {  	s1 =	sld [smem:$0x3FAB]  }
0x28: {  	s2 =	sld [smem:$0x3FAC]  }
0x29: {  	s4 =	sld [smem:$0x3FAE]  }
0x2a: {  	p0 =	seq.s32 s5, $0x0;
	s5 =	sld [smem:$0x3FAF]  }
0x2b: {  	s6 =	sld [smem:$0x3FB0]  }
0x2c: {  	s7 =	sld [smem:$0x3FB1]  }
0x2d: {  	s3 =	simm.s32 $0x108;
	s8 =	sld [smem:$0x3FB2]  }
0x2e: {  	s3 =	simm.s32 @!p0 $0x1082;
	s9 =	sld [smem:$0x3FB3]  }
0x2f: {  	lr =	sadd.s32 s0, s3;
	s0 =	sld [smem:$0x3FAA]  }
0x30: {  	s3 =	sld [smem:$0x3FAD]  }
0x31: {  	[smem:$0x3FB6] =	sst s10  }
0x32: {  	s10 =	sld [smem:$0x3FB4];
	_ =	sdelay $0x3  }
0x33: {  	p0 =	seq.s32 s10, $0x1;
	s10 =	sld [smem:$0x3FB6];
	_ =	sdelay $0x3  }
0x34: {  	[smem:$0x3FB6] =	sst s10  }
0x35: {  	s10 =	sld [smem:$0x3FB5];
	_ =	sdelay $0x3  }
0x36: {  	p1 =	seq.s32 s10, $0x1;
	s10 =	sld [smem:$0x3FB6];
	_ =	sdelay $0x3  }
0x37: {  	[smem:$0x3FB6] =	sst s10  }
0x38: {  	s10 =	sld [smem:$0x3FB7]  }
0x39: {  	_ = 	snop;
	(pc) =	sbr.ind lr, $3  }
0x3a: {  	_ = 	snop  }
0x3b: {  	_ = 	snop  }
0x3c: {  	p2 =	seq.s32 s10, $0x1;
	s10 =	sld [smem:$0x3FB6]  }
0x3d: {  	_ =	shalt  }
0x3e: {  	_ =	shalt  }
0x3f: {  	_ =	shalt  }
0x40: {  	_ =	shalt  }
0x41: {  	_ =	shalt  }
0x42: {  	_ =	shalt  }
0x43: {  	_ =	shalt  }
0x44: {  	_ =	shalt  }
0x45: {  	_ =	shalt  }
0x46: {  	_ =	shalt  }
0x47: {  	_ =	shalt  }
0x48: {  	_ =	shalt  }
0x49: {  	_ =	shalt  }
0x4a: {  	_ =	shalt  }
0x4b: {  	_ =	shalt  }
0x4c: {  	_ =	shalt  }
0x4d: {  	_ =	shalt  }
0x4e: {  	_ =	shalt  }
0x4f: {  	_ =	shalt  }
0x50: {  	_ =	shalt  }
0x51: {  	_ =	shalt  }
0x52: {  	_ =	shalt  }
0x53: {  	_ =	shalt  }
0x54: {  	_ =	shalt  }
0x55: {  	_ =	shalt  }
0x56: {  	_ =	shalt  }
0x57: {  	_ =	shalt  }
0x58: {  	_ =	shalt  }
0x59: {  	_ =	shalt  }
0x5a: {  	_ =	shalt  }
0x5b: {  	_ =	shalt  }
0x5c: {  	_ =	shalt  }
0x5d: {  	_ =	shalt  }
0x5e: {  	_ =	shalt  }
0x5f: {  	_ =	shalt  }
0x60: {  	_ =	shalt  }
0x61: {  	_ =	shalt  }
0x62: {  	_ =	shalt  }
0x63: {  	_ =	shalt  }
0x64: {  	_ =	shalt  }
0x65: {  	_ =	shalt  }
0x66: {  	_ =	shalt  }
0x67: {  	_ =	shalt  }
0x68: {  	_ =	shalt  }
0x69: {  	_ =	shalt  }
0x6a: {  	_ =	shalt  }
0x6b: {  	_ =	shalt  }
0x6c: {  	_ =	shalt  }
0x6d: {  	_ =	shalt  }
0x6e: {  	_ =	shalt  }
0x6f: {  	_ =	shalt  }
0x70: {  	_ =	shalt  }
0x71: {  	_ =	shalt  }
0x72: {  	_ =	shalt  }
0x73: {  	_ =	shalt  }
0x74: {  	_ =	shalt  }
0x75: {  	_ =	shalt  }
0x76: {  	_ =	shalt  }
0x77: {  	_ =	shalt  }
0x78: {  	_ =	shalt  }
0x79: {  	_ =	shalt  }
0x7a: {  	_ =	shalt  }
0x7b: {  	_ =	shalt  }
0x7c: {  	_ =	shalt  }
0x7d: {  	_ =	shalt  }
0x7e: {  	_ =	shalt  }
0x7f: {  	_ =	shalt  }
0x80: {  	_ =	shalt  }
0x81: {  	_ =	shalt  }
0x82: {  	_ =	shalt  }
0x83: {  	_ =	shalt  }
0x84: {  	_ =	shalt  }
0x85: {  	_ =	shalt  }
0x86: {  	_ =	shalt  }
0x87: {  	_ =	shalt  }
.Lfunc_end0:
.L_simem_size_0:
called_computation_lowered:
.L_overlay_start_0:
0x88: {  	s2 =	sld [smem:$0x3FD9]  }
0x89: {  	s3 =	sld [smem:$0x3FFE];
	_ =	sdelay $0x1  }
0x8a: {  	s1 =	srdreg.scid  }
0x8b: {  	s0 =	sand.u32 $0x1, s1  }
0x8c: {  	s17 =	sshll.u32 s0, $0xA;
	s2 =	sadd.s32 s3, s2  }
0x8d: {  	s2 =	sadd.s32 s2, s17  }
0x8e: {  	[smem:$0x3FC2] =	sst s2  }
0x8f: {  	_ = 	snop  }
0x90: {  	s18 =	sld [smem:$0x3FC8];
	(tm) =	ssettm $0x1  }
0x91: {  	s19 =	sld [smem:$0x3FFB];
	_ =	sdelay $0x3  }
0x92: {  	_ =	strace s19  }
0x93: {  	s2 =	sld [smem:$0x3FFC];
	_ =	sdelay $0x3  }
0x94: {  	_ =	strace s2  }
0x95: {  	s2 =	sld [smem:$0x3FFD];
	_ =	sdelay $0x3  }
0x96: {  	_ =	strace s2  }
0x97: {  	_ =	strace $0x8FFFFFFF  }
0x98: {  	s20 =	sld [smem:$0x3FDB];
	_ =	sdelay $0x1  }
0x99: {  	s4 =	simm.s32 $_scs_section_size  }
0x9a: {  	s5 =	simm.s32 $_size__tile_overlayer_lowered;
	s6 =	simm.s32 $_tile_overlayer_lowered  }
0x9b: {  	s7 =	simm.s32 $0x1BFF;
	s21 =	sshll.u32 s6, $0x1;
	s4 =	sadd.s32 s4, s20  }
0x9c: {  	s22 =	simm.s32 $0x0;
	s5 =	sshll.u32 s5, $0x1;
	s6 =	sadd.s32 s21, s4  }
0x9d: {  	[timem:s22], [sflag:s7] =	dma.local [hbm:s6], s5  }
0x9e: {  	_ =	swait.ge [sflag:s7], s5  }
0x9f: {  	s5 =	ssub.s32 $0x0, s5;
	[sflag:s7] =	ssyncset.done $0x0  }
0xa0: {  	[sflag:s7] =	ssyncadd.s32 s5;
	_ =	sdelay $0x1  }
0xa1: {  	s23 =	simm.s32 $0x1B8B  }
0xa2: {  	_ =	swait.ge [sflag:s23], $0x1  }
0xa3: {  	[sflag:s23] =	ssyncset.done $0x0  }
0xa4: {  	[sflag:s23] =	ssyncadd.s32 $0xFFFFFFFF  }
0xa5: {  	s5 =	sld [smem:$0x0]  }
0xa6: {  	s6 =	sand.u32 $0xFFFFFFFE, s1  }
0xa7: {  	p0 =	sne.s32 s1, s6  }
0xa8: {  	s6 =	sshll.u32 @p0 s6, $0xE  }
0xa9: {  	s6 =	sadd.s32 @p0 $0x11B8D, s6;
	s7 =	sshll.u32 @p0 s5, $0x11  }
0xaa: {  	s6 =	sor.u32 @p0 s7, s6  }
0xab: {  	[sflag:s6] =	ssyncadd.remote.s32 @p0 $0x1;
	_ =	sdelay $0x1  }
0xac: {  	s6 =	simm.s32 @p0 $0x1B8D  }
0xad: {  	_ =	swait.eq @p0 [sflag:s6], $0x1  }
0xae: {  	[sflag:s6] =	ssyncadd.s32 @p0 $0xFFFFFFFF  }
0xaf: {  	s7 =	sshll.u32 @!p0 s1, $0xE  }
0xb0: {  	s7 =	sor.u32 @!p0 $0x4000, s7;
	s6 =	simm.s32 @!p0 $0x1B8D  }
0xb1: {  	s5 =	sshll.u32 @!p0 s5, $0x11;
	s7 =	sadd.s32 @!p0 $0x11B8D, s7;
	_ =	swait.eq @!p0 [sflag:s6], $0x1  }
0xb2: {  	s5 =	sor.u32 @!p0 s5, s7;
	[sflag:s6] =	ssyncadd.s32 @!p0 $0xFFFFFFFF  }
0xb3: {  	s25 =	simm.s32 $0x1B8E;
	s24 =	sld [smem:$0x3FFE];
	[sflag:s5] =	ssyncadd.remote.s32 @!p0 $0x1  }
0xb4: {  	s26 =	simm.s32 $execute0_lowered;
	[smem:$0x3FD2] =	sst s25  }
0xb5: {  	s6 =	sshll.u32 s26, $0x1;
	_ =	strace $0x80000049;
	[dreg:$0x1] =	wrdreg $0xFFFFFFFF  }
0xb6: {  	s28 =	simm.s32 $_size_execute0_lowered;
	s4 =	sadd.s32 s4, s6;
	[dreg:$0x0] =	wrdreg $0x0  }
0xb7: {  	s6 =	sshll.u32 s28, $0x1;
	[dreg:$0x2] =	wrdreg s4  }
0xb8: {  	[dreg:$0x3] =	wrdreg s6  }
0xb9: {  	[dreg:$0x4] =	wrdreg $0xC0  }
0xba: {  	_ =	task [dreg:s22], $0x5FFFF  }
0xbb: {  	[dreg:$0x1] =	wrdreg $0xFFFFFFFF  }
0xbc: {  	[dreg:$0x0] =	wrdreg $0x60  }
0xbd: {  	[dreg:$0x2] =	wrdreg s24  }
0xbe: {  	[dreg:$0x3] =	wrdreg s18  }
0xbf: {  	[dreg:$0x4] =	wrdreg $0x33000  }
0xc0: {  	[dreg:$0x5] =	wrdreg $0x9  }
0xc1: {  	_ =	task.clear_ibuf [dreg:s22], $0x6FFFF;
	_ =	strace $0x90000049  }
0xc2: {  	s29 =	simm.s32 $0x9;
	_ =	strace $0x8000004B  }
0xc3: {  	_ =	swait.ge [sflag:s29], $0x1  }
0xc4: {  	[sflag:s29] =	ssyncadd.s32 $0xFFFFFFFF  }
0xc5: {  	_ =	strace $0x9000004B  }
0xc6: {  	_ =	sfence  }
0xc7: {  	s30 =	sld [smem:$0x0];
	_ =	sdelay $0x2  }
0xc8: {  	s31 =	sshll.u32 s1, $0xD;
	s1 =	sshrl.u32 s1, $0x2  }
0xc9: {  	s4 =	sand.u32 $0x4000, s31;
	s1 =	sadd.s32 s1, s30  }
0xca: {  	s0 =	sor.u32 s4, s0;
	s1 =	sshll.u32 s1, $0x11  }
0xcb: {  	s0 =	sor.u32 s1, s0  }
0xcc: {  	s0 =	sadd.s32 $0x8F2B, s0  }
0xcd: {  	[sflag:s0] =	ssyncadd.remote.s32 $0x1  }
0xce: {  	_ =	sfence.sel $0xFFFF  }
0xcf: {  	[dreg:$0x0] =	wrdreg $0xFFFFFFFF;
	(pc) =	sbr.abs _section_cstart, $3  }
0xd0: {  	[dreg:$0x1] =	wrdreg $0xFFFFFFFF  }
0xd1: {  	_ =	task.clear_ibuf [dreg:s22], $0x2FFFF;
	_ =	strace $0x9FFFFFFF  }
0xd2: {  	(tm) =	ssettm $0x7FFFFFFF  }
0xd3: {  	_ =	shalt  }
tec
execute0_lowered:
.L_overlay_start_1:
0x0: {  	(tag) =	ssettag $0x1  }
0x1: {  	s3 =	rddreg [dreg:$0x0]  }
0x2: {  	s0 =	srdreg.scid;
	s4 =	rddreg [dreg:$0x1]  }
0x3: {  	s6 =	rddreg [dreg:$0x2];
	s1 =	stileid.u32;
	s2 =	simm.s32 $0x0  }
0x4: {  	v0 =	vimm.s32 $0x76543210;
	s12 =	simm.s32 $0x2;
	s13 =	simm.s32 $0x2F00;
	s14 =	simm.s32 $0x80  }
0x5: {  	s15 =	simm.s32 $0x400;
	s16 =	simm.s32 $0x3;
	s17 =	simm.s32 $0x2000;
	v0 =	vunpack.c.l.s4.s8 v0  }
0x6: {  	s18 =	simm.s32 $0x3700;
	s5 =	sand.u32 $0x1, s0;
	s0 =	rddreg [dreg:$0x3]  }
0x7: {  	s19 =	simm.s32 $0x3F00;
	s20 =	simm.s32 $0x0;
	[smem:$0x7FF] =	sst s2;
	v0 =	vunpack.c.0.s8.s32 v0  }
0x8: {  	vm0 =	vcmask $0x1F00;
	s29 =	sshll.u32 s1, $0xA;
	s31 =	sshll.u32 s1, $0x7;
	s11 =	sshll.u32 s1, $0x5  }
0x9: {  	vm9 =	vcmask $0x2320;
	p0 =	sgt.u32 s1, $0x7;
	s7 =	sshll.u32 s5, $0x4;
	_ =	strace $0x8000004A;
	v0 =	vnsel vm0, $0x177F, v0  }
0xa: {  	vm10 =	vcmask $0x2724;
	s5 =	ssub.s32 $0x2, s5;
	s30 =	sand.u32 $0x2000, s29;
	s8 =	sor.u32 s1, s7;
	v0 =	vsel vm9, $0x1778, v0  }
0xb: {  	vm11 =	vcmask $0x2B28;
	s7 =	sadd.s32 s7, s3;
	s28 =	sshrl.u32 s5, $0x1;
	s8 =	smul.u32 $0x2EE, s8;
	v0 =	vsel vm10, $0x1779, v0  }
.Ltmp0:
0xc: {  	vm12 =	vcmask $0x2F2C;
	s10 =	ssub.s32 s5, s28;
	s5 =	sadd.s32 s30, s6;
	v0 =	vsel vm11, $0x177A, v0;
	(pc) =	sbr.rel .LBB2_1-.Ltmp0, $4  }
0xd: {  	vm13 =	vcmask $0x3330;
	s6 =	sadd.s32 s29, s6;
	s7 =	sadd.s32 s11, s7;
	s11 =	simm.s32 $0x1;
	v0 =	vsel vm12, $0x177B, v0  }
0xe: {  	vm14 =	vcmask $0x3734;
	s9 =	sadd.s32 s8, s3;
	s4 =	sadd.s32 s4, s8;
	s8 =	sand.u32 $0x380, s31;
	v0 =	vsel vm13, $0x177C, v0  }
0xf: {  	vm15 =	vcmask $0x3B38;
	s7 =	sadd.s32 $0xAA00, s7;
	s3 =	sadd.s32 $0x4C00, s9;
	s5 =	sadd.s32 s8, s5;
	v0 =	vsel vm14, $0x177D, v0  }
0x10: {  	v1 =	vimm.s32 $0xFFFFFFFF;
	v2 =	vimm.f32 $0.0e+00;
	s8 =	smax.u32 s10, $0x1;
	s9 =	simm.s32 $0x1780;
	s10 =	simm.s32 $0x1788;
	v0 =	vsel vm15, $0x177E, v0  }
.LBB2_8:
0x11: {  	v10 =	vld [tilespmem:s23+$0x3780]  }
0x12: {  	v11 =	vld [tilespmem:s21+$0x3C00];
	v5 =	vadd.f32 v5, v9  }
0x13: {  	v47 =	vld [tilespmem:s23+$0x3800]  }
0x14: {  	v12 =	vld [tilespmem:s21+$0x3C80];
	v6 =	vadd.f32 v6, v8;
	[tilespmem:s22+$0x3F00] =	vst v5  }
0x15: {  	v5 =	vld [tilespmem:s23+$0x3880]  }
0x16: {  	v6 =	vadd.f32 v7, v6;
	v4 =	vadd.f32 v10, v4  }
0x17: {  	v48 =	vld [tilespmem:s23+$0x3900]  }
0x18: {  	v49 =	vld [tilespmem:s21+$0x3D00];
	v3 =	vadd.f32 v3, v6;
	v4 =	vadd.f32 v47, v4  }
0x19: {  	v50 =	vld [tilespmem:s23+$0x3980]  }
0x1a: {  	v51 =	vld [tilespmem:s21+$0x3D80];
	v3 =	vadd.f32 v11, v3;
	v4 =	vadd.f32 v5, v4  }
0x1b: {  	v52 =	vld [tilespmem:s23+$0x3A00]  }
0x1c: {  	v53 =	vld [tilespmem:s21+$0x3E00];
	v3 =	vadd.f32 v12, v3;
	v4 =	vadd.f32 v48, v4  }
0x1d: {  	v54 =	vld [tilespmem:s23+$0x3A80]  }
0x1e: {  	v55 =	vld [tilespmem:s21+$0x3E80];
	v3 =	vadd.f32 v49, v3;
	v4 =	vadd.f32 v50, v4  }
0x1f: {  	v56 =	vld [tilespmem:s23+$0x3B00]  }
0x20: {  	v3 =	vadd.f32 v51, v3;
	v4 =	vadd.f32 v52, v4  }
0x21: {  	v57 =	vld [tilespmem:s23+$0x3B80]  }
0x22: {  	v3 =	vadd.f32 v53, v3;
	v4 =	vadd.f32 v54, v4  }
0x23: {  	v58 =	vld [tilespmem:s23+$0x3C00]  }
0x24: {  	v3 =	vadd.f32 v55, v3;
	v4 =	vadd.f32 v56, v4  }
0x25: {  	v59 =	vld [tilespmem:s23+$0x3C80]  }
0x26: {  	[tilespmem:s21+$0x3F00] =	vst v3;
	v3 =	vadd.f32 v57, v4  }
0x27: {  	v60 =	vld [tilespmem:s23+$0x3D00]  }
0x28: {  	v3 =	vadd.f32 v58, v3  }
0x29: {  	v61 =	vld [tilespmem:s23+$0x3D80]  }
0x2a: {  	v3 =	vadd.f32 v59, v3  }
0x2b: {  	v62 =	vld [tilespmem:s23+$0x3E00]  }
0x2c: {  	v3 =	vadd.f32 v60, v3  }
0x2d: {  	v63 =	vld [tilespmem:s23+$0x3E80]  }
0x2e: {  	v3 =	vadd.f32 v61, v3;
	_ =	sdelay $0x1  }
0x2f: {  	v3 =	vadd.f32 v62, v3;
	_ =	sdelay $0x1  }
0x30: {  	v3 =	vadd.f32 v63, v3;
	_ =	sdelay $0x1  }
0x31: {  	[tilespmem:s23+$0x3F00] =	vst v3  }
0x32: {  	[hbm4b:s7+s2] =	stream.linear.scatter [tilespmem:s19], [sflag:$0x3], $0x80, $0x38;
	[tilespmem:$0x3F80] =	vst v63  }
0x33: {  	_ =	swait.ge [sflag:s16], $0x80  }
0x34: {  	[sflag:s16] =	ssyncset.done $0x0  }
0x35: {  	[sflag:s16] =	ssyncadd.s32 $0xFFFFFF80  }
.LBB2_9:
0x36: {  	s20 =	sadd.s32 $0x1, s20  }
0x37: {  	p1 =	sne.s32 s20, s8  }
.Ltmp1:
0x38: {  	_ = 	snop;
	(pc) =	sbr.rel @!p1 .LBB2_10-.Ltmp1, $1  }
0x39: {  	_ =	sdelay $0x3  }
.LBB2_1:
0x3a: {  	_ =	sdelay $0x3  }
0x3b: {  	[tilespmem:v0+s9+$0x0] =	vst.idx.msk $0xffff, v1  }
0x3c: {  	[tilespmem:s2], [sflag:$0x1] =	stream.linear.gather [hbm4b:s3+s2], $0x1770, $0x38;
	[tilespmem:$0x3F80] =	vst v63  }
0x3d: {  	s21 =	simm.s32 $0x40;
	s22 =	simm.s32 $0x0  }
0x3e: {  	[tilespmem:s10], [sflag:$0x2] =	stream.linear.gather [hbm4b:s4+s2], $0x1770, $0x38;
	[tilespmem:$0x3F80] =	vst v63  }
.LBB2_2:
0x3f: {  	p1 =	sne.s32 s21, $0xFC0;
	[tilespmem:s22+$0x2F00] =	vst v2;
	s22 =	smov.u32 s21;
	s21 =	sadd.s32 $0x40, s21  }
.Ltmp2:
0x40: {  	(pc) =	sbr.rel @p1 .LBB2_2-.Ltmp2, $2  }
0x41: {  	_ =	sdelay $0x2  }
0x42: {  	s22 =	sshra.s32 s22, $0x2  }
0x43: {  	[tilespmem:s22+$0x2F00] =	vst v2  }
0x44: {  	_ =	swait.ge [sflag:s11], $0x1770  }
0x45: {  	[sflag:s11] =	ssyncset.done $0x0  }
0x46: {  	[sflag:s11] =	ssyncadd.s32 $0xFFFFE890  }
0x47: {  	_ =	swait.ge [sflag:s12], $0x1770  }
0x48: {  	[sflag:s12] =	ssyncset.done $0x0  }
0x49: {  	s21 =	simm.s32 $0x0;
	[sflag:s12] =	ssyncadd.s32 $0xFFFFE890  }
0x4a: {  	v3 =	vld [tilespmem:s21+$0x0];
	_ =	sdelay $0x4  }
0x4b: {  	(xrf2) =	vadd.scan.msk.f32 $0xffff, v3;
	_ =	sdelay $0x1  }
0x4c: {  	v4 =	vld [tilespmem:s21+$0x1789]  }
0x4d: {  	v5 =	vld [tilespmem:s21+$0x1788]  }
0x4e: {  	v6 =	vld [tilespmem:s21+$0x1787];
	_ =	sdelay $0x3  }
0x4f: {  	vm0 =	vne.s32 v5, v4  }
0x50: {  	vm1 =	vne.s32 v5, v6  }
0x51: {  	s28 =	simm.f32 $0.0e+00;
	v4, _, _ =	vpop (xrf2)  }
0x52: {  	v6 =	vadd.f32 s28, v4;
	_ =	sdelay $0x1  }
0x53: {  	v3 =	vsub.f32 v3, v6  }
0x54: {  	(v2sf) =	vpush v4, $0xF;
	[tilespmem:v5+s13+$0x0] =	vst.idx.add.f32.msk vm0, v6  }
0x55: {  	[tilespmem:v5+s13+$0x0] =	vst.idx.add.f32.msk vm1, v3  }
0x56: {  	v3 =	vld [tilespmem:s21+$0x10];
	_ =	sdelay $0x4  }
0x57: {  	(xrf2) =	vadd.scan.msk.f32 $0xffff, v3;
	_ =	sdelay $0x1  }
0x58: {  	v4 =	vld [tilespmem:s21+$0x1799]  }
0x59: {  	v5 =	vld [tilespmem:s21+$0x1798]  }
0x5a: {  	v6 =	vld [tilespmem:s21+$0x1797];
	_ =	sdelay $0x3  }
0x5b: {  	vm8 =	vne.s32 v5, v4;
	s23 =	spop (v2sf)  }
0x5c: {  	vm9 =	vne.s32 v5, v6;
	s22 =	sadd.f32 s23, s28  }
0x5d: {  	v4, _, _ =	vpop (xrf2)  }
0x5e: {  	v6 =	vadd.f32 s22, v4;
	_ =	sdelay $0x1  }
0x5f: {  	v3 =	vsub.f32 v3, v6  }
0x60: {  	(v2sf) =	vpush v4, $0xF;
	[tilespmem:v5+s13+$0x0] =	vst.idx.add.f32.msk vm8, v6  }
0x61: {  	[tilespmem:v5+s13+$0x0] =	vst.idx.add.f32.msk vm9, v3  }
0x62: {  	v3 =	vld [tilespmem:s21+$0x20];
	_ =	sdelay $0x4  }
0x63: {  	(xrf2) =	vadd.scan.msk.f32 $0xffff, v3;
	_ =	sdelay $0x1  }
0x64: {  	v4 =	vld [tilespmem:s21+$0x17A9]  }
0x65: {  	v5 =	vld [tilespmem:s21+$0x17A8]  }
0x66: {  	v6 =	vld [tilespmem:s21+$0x17A7];
	_ =	sdelay $0x3  }
0x67: {  	vm10 =	vne.s32 v5, v4;
	s29 =	spop (v2sf)  }
0x68: {  	vm11 =	vne.s32 v5, v6;
	s22 =	sadd.f32 s29, s22  }
0x69: {  	v4, _, _ =	vpop (xrf2)  }
0x6a: {  	v6 =	vadd.f32 s22, v4;
	_ =	sdelay $0x1  }
0x6b: {  	v3 =	vsub.f32 v3, v6  }
0x6c: {  	(v2sf) =	vpush v4, $0xF;
	[tilespmem:v5+s13+$0x0] =	vst.idx.add.f32.msk vm10, v6  }
0x6d: {  	[tilespmem:v5+s13+$0x0] =	vst.idx.add.f32.msk vm11, v3  }
0x6e: {  	v3 =	vld [tilespmem:s21+$0x30];
	_ =	sdelay $0x4  }
0x6f: {  	(xrf2) =	vadd.scan.msk.f32 $0xffff, v3;
	_ =	sdelay $0x1  }
0x70: {  	v4 =	vld [tilespmem:s21+$0x17B8]  }
0x71: {  	v5 =	vld [tilespmem:s21+$0x17B9]  }
0x72: {  	v6 =	vld [tilespmem:s21+$0x17B7];
	_ =	sdelay $0x3  }
0x73: {  	vm12 =	vne.s32 v4, v5;
	s30 =	spop (v2sf)  }
0x74: {  	vm13 =	vne.s32 v4, v6;
	s22 =	sadd.f32 s30, s22  }
0x75: {  	v5, _, _ =	vpop (xrf2)  }
0x76: {  	v6 =	vadd.f32 s22, v5;
	_ =	sdelay $0x1  }
0x77: {  	v3 =	vsub.f32 v3, v6  }
0x78: {  	[tilespmem:v4+s13+$0x0] =	vst.idx.add.f32.msk vm12, v6  }
0x79: {  	(v2sf) =	vpush v5, $0xF;
	[tilespmem:v4+s13+$0x0] =	vst.idx.add.f32.msk vm13, v3  }
0x7a: {  	v3 =	vld [tilespmem:s21+$0x40];
	_ =	sdelay $0x4  }
0x7b: {  	(xrf2) =	vadd.scan.msk.f32 $0xffff, v3;
	_ =	sdelay $0x2  }
0x7c: {  	v4 =	vld [tilespmem:s21+$0x17C8]  }
0x7d: {  	v5 =	vld [tilespmem:s21+$0x17C9]  }
0x7e: {  	v6 =	vld [tilespmem:s21+$0x17C7];
	_ =	sdelay $0x3  }
0x7f: {  	vm14 =	vne.s32 v4, v5;
	s31 =	spop (v2sf)  }
0x80: {  	vm15 =	vne.s32 v4, v6;
	s24 =	sadd.f32 s31, s22;
	v7, _, _ =	vpop (xrf2)  }
0x81: {  	(v2sf) =	vpush v7, $0xF  }
0x82: {  	v5 =	vadd.f32 s24, v7;
	_ =	sdelay $0x1  }
0x83: {  	v3 =	vsub.f32 v3, v5  }
0x84: {  	[tilespmem:v4+s13+$0x0] =	vst.idx.add.f32.msk vm14, v5  }
0x85: {  	s21 =	simm.s32 $0x50;
	[tilespmem:v4+s13+$0x0] =	vst.idx.add.f32.msk vm15, v3  }
0x86: {  	v3 =	vld [tilespmem:s21+$0x0];
	_ =	sdelay $0x4  }
0x87: {  	(xrf2) =	vadd.scan.msk.f32 $0xffff, v3;
	_ =	sdelay $0x1  }
0x88: {  	v5 =	vld [tilespmem:s21+$0x1789]  }
0x89: {  	v4 =	vld [tilespmem:s21+$0x1788]  }
0x8a: {  	s22 =	simm.s32 $0x280;
	v6 =	vld [tilespmem:s21+$0x1787];
	s23 =	spop (v2sf)  }
.LBB2_4:
0x8b: {  	p1 =	sne.s32 s22, $0x5C80  }
0x8c: {  	s24 =	sadd.f32 s23, s24;
	s23 =	smov.u32 s22;
	s22 =	sadd.s32 $0x140, s22  }
0x8d: {  	_ = 	snop  }
0x8e: {  	vm0 =	vne.s32 v4, v5  }
0x8f: {  	vm1 =	vne.s32 v4, v6  }
0x90: {  	v5, _, _ =	vpop (xrf2)  }
0x91: {  	v6 =	vadd.f32 s24, v5;
	(v2sf) =	vpush v5, $0xF;
	_ =	sdelay $0x1  }
0x92: {  	v3 =	vsub.f32 v3, v6  }
0x93: {  	[tilespmem:v4+s13+$0x0] =	vst.idx.add.f32.msk vm0, v6  }
0x94: {  	[tilespmem:v4+s13+$0x0] =	vst.idx.add.f32.msk vm1, v3  }
0x95: {  	v3 =	vld [tilespmem:s21+$0x10];
	_ =	sdelay $0x4  }
0x96: {  	(xrf2) =	vadd.scan.msk.f32 $0xffff, v3;
	_ =	sdelay $0x1  }
0x97: {  	v4 =	vld [tilespmem:s21+$0x1799]  }
0x98: {  	v5 =	vld [tilespmem:s21+$0x1798]  }
0x99: {  	v6 =	vld [tilespmem:s21+$0x1797]  }
0x9a: {  	s25 =	spop (v2sf);
	_ =	sdelay $0x2  }
0x9b: {  	vm0 =	vne.s32 v5, v4  }
0x9c: {  	s24 =	sadd.f32 s25, s24;
	vm1 =	vne.s32 v5, v6  }
0x9d: {  	v4, _, _ =	vpop (xrf2)  }
0x9e: {  	v6 =	vadd.f32 s24, v4;
	(v2sf) =	vpush v4, $0xF;
	_ =	sdelay $0x1  }
0x9f: {  	v3 =	vsub.f32 v3, v6  }
0xa0: {  	[tilespmem:v5+s13+$0x0] =	vst.idx.add.f32.msk vm0, v6  }
0xa1: {  	[tilespmem:v5+s13+$0x0] =	vst.idx.add.f32.msk vm1, v3  }
0xa2: {  	v3 =	vld [tilespmem:s21+$0x20];
	_ =	sdelay $0x4  }
0xa3: {  	(xrf2) =	vadd.scan.msk.f32 $0xffff, v3  }
0xa4: {  	v4 =	vld [tilespmem:s21+$0x17A9]  }
0xa5: {  	v5 =	vld [tilespmem:s21+$0x17A8];
	_ =	sdelay $0x1  }
0xa6: {  	v6 =	vld [tilespmem:s21+$0x17A7]  }
0xa7: {  	s25 =	spop (v2sf)  }
0xa8: {  	s24 =	sadd.f32 s25, s24  }
0xa9: {  	vm0 =	vne.s32 v5, v4;
	_ =	sdelay $0x1  }
0xaa: {  	vm1 =	vne.s32 v5, v6  }
0xab: {  	v4, _, _ =	vpop (xrf2)  }
0xac: {  	v6 =	vadd.f32 s24, v4;
	(v2sf) =	vpush v4, $0xF;
	_ =	sdelay $0x1  }
0xad: {  	[tilespmem:v5+s13+$0x0] =	vst.idx.add.f32.msk vm0, v6;
	v3 =	vsub.f32 v3, v6;
	_ =	sdelay $0x1  }
0xae: {  	[tilespmem:v5+s13+$0x0] =	vst.idx.add.f32.msk vm1, v3  }
0xaf: {  	v3 =	vld [tilespmem:s21+$0x30]  }
0xb0: {  	v4 =	vld [tilespmem:s21+$0x17B8]  }
0xb1: {  	v5 =	vld [tilespmem:s21+$0x17B9]  }
0xb2: {  	v6 =	vld [tilespmem:s21+$0x17B7];
	_ =	sdelay $0x1  }
0xb3: {  	(xrf2) =	vadd.scan.msk.f32 $0xffff, v3;
	_ =	sdelay $0x1  }
0xb4: {  	vm0 =	vne.s32 v4, v5;
	_ =	sdelay $0x2  }
0xb5: {  	s25 =	spop (v2sf)  }
0xb6: {  	s24 =	sadd.f32 s25, s24;
	_ =	sdelay $0x2  }
0xb7: {  	vm1 =	vne.s32 v4, v6  }
0xb8: {  	v5, _, _ =	vpop (xrf2)  }
0xb9: {  	v6 =	vadd.f32 s24, v5;
	(v2sf) =	vpush v5, $0xF;
	_ =	sdelay $0x1  }
0xba: {  	[tilespmem:v4+s13+$0x0] =	vst.idx.add.f32.msk vm0, v6;
	v3 =	vsub.f32 v3, v6;
	_ =	sdelay $0x1  }
0xbb: {  	[tilespmem:v4+s13+$0x0] =	vst.idx.add.f32.msk vm1, v3  }
0xbc: {  	v3 =	vld [tilespmem:s21+$0x40]  }
0xbd: {  	v4 =	vld [tilespmem:s21+$0x17C8]  }
0xbe: {  	v5 =	vld [tilespmem:s21+$0x17C9]  }
0xbf: {  	v6 =	vld [tilespmem:s21+$0x17C7];
	_ =	sdelay $0x1  }
0xc0: {  	(xrf2) =	vadd.scan.msk.f32 $0xffff, v3;
	_ =	sdelay $0x4  }
0xc1: {  	s21 =	spop (v2sf);
	_ =	sdelay $0x1  }
0xc2: {  	vm0 =	vne.s32 v4, v5;
	_ =	sdelay $0x1  }
0xc3: {  	vm1 =	vne.s32 v4, v6;
	s24 =	sadd.f32 s21, s24  }
0xc4: {  	v5, _, _ =	vpop (xrf2)  }
0xc5: {  	v6 =	vadd.f32 s24, v5;
	(v2sf) =	vpush v5, $0xF;
	_ =	sdelay $0x1  }
0xc6: {  	[tilespmem:v4+s13+$0x0] =	vst.idx.add.f32.msk vm0, v6;
	v3 =	vsub.f32 v3, v6;
	_ =	sdelay $0x1  }
0xc7: {  	s21 =	sshra.s32 s23, $0x2;
	[tilespmem:v4+s13+$0x0] =	vst.idx.add.f32.msk vm1, v3  }
0xc8: {  	v3 =	vld [tilespmem:s21+$0x0];
	_ =	sdelay $0x4  }
0xc9: {  	(xrf2) =	vadd.scan.msk.f32 $0xffff, v3  }
.Ltmp3:
0xca: {  	(pc) =	sbr.rel @p1 .LBB2_4-.Ltmp3, $4  }
0xcb: {  	v5 =	vld [tilespmem:s21+$0x1789]  }
0xcc: {  	v4 =	vld [tilespmem:s21+$0x1788]  }
0xcd: {  	v6 =	vld [tilespmem:s21+$0x1787]  }
0xce: {  	s23 =	spop (v2sf)  }
0xcf: {  	_ =	sdelay $0x1  }
0xd0: {  	vm0 =	vne.s32 v4, v5  }
0xd1: {  	s22 =	sadd.f32 s23, s24;
	vm1 =	vne.s32 v4, v6  }
0xd2: {  	v51, _, _ =	vpop (xrf2)  }
0xd3: {  	v52 =	vadd.f32 s22, v51;
	_ =	sdelay $0x1  }
0xd4: {  	v3 =	vsub.f32 v3, v52  }
0xd5: {  	(v2sf) =	vpush v51, $0xF;
	[tilespmem:v4+s13+$0x0] =	vst.idx.add.f32.msk vm0, v52  }
0xd6: {  	[tilespmem:v4+s13+$0x0] =	vst.idx.add.f32.msk vm1, v3  }
0xd7: {  	v3 =	vld [tilespmem:s21+$0x10];
	_ =	sdelay $0x4  }
0xd8: {  	(xrf2) =	vadd.scan.msk.f32 $0xffff, v3;
	_ =	sdelay $0x1  }
0xd9: {  	v4 =	vld [tilespmem:s21+$0x1799]  }
0xda: {  	v53 =	vld [tilespmem:s21+$0x1798]  }
0xdb: {  	v6 =	vld [tilespmem:s21+$0x1797];
	_ =	sdelay $0x3  }
0xdc: {  	vm8 =	vne.s32 v53, v4;
	s26 =	spop (v2sf)  }
0xdd: {  	vm9 =	vne.s32 v53, v6;
	s22 =	sadd.f32 s26, s22  }
0xde: {  	v54, _, _ =	vpop (xrf2)  }
0xdf: {  	v55 =	vadd.f32 s22, v54;
	_ =	sdelay $0x1  }
0xe0: {  	v3 =	vsub.f32 v3, v55  }
0xe1: {  	(v2sf) =	vpush v54, $0xF;
	[tilespmem:v53+s13+$0x0] =	vst.idx.add.f32.msk vm8, v55  }
0xe2: {  	[tilespmem:v53+s13+$0x0] =	vst.idx.add.f32.msk vm9, v3  }
0xe3: {  	v3 =	vld [tilespmem:s21+$0x20];
	_ =	sdelay $0x4  }
0xe4: {  	(xrf2) =	vadd.scan.msk.f32 $0xffff, v3;
	_ =	sdelay $0x1  }
0xe5: {  	v56 =	vld [tilespmem:s21+$0x17A9]  }
0xe6: {  	v5 =	vld [tilespmem:s21+$0x17A8]  }
0xe7: {  	v6 =	vld [tilespmem:s21+$0x17A7];
	_ =	sdelay $0x3  }
0xe8: {  	vm10 =	vne.s32 v5, v56;
	s28 =	spop (v2sf)  }
0xe9: {  	vm11 =	vne.s32 v5, v6;
	s22 =	sadd.f32 s28, s22  }
0xea: {  	v57, _, _ =	vpop (xrf2)  }
0xeb: {  	v58 =	vadd.f32 s22, v57;
	_ =	sdelay $0x1  }
0xec: {  	v3 =	vsub.f32 v3, v58  }
0xed: {  	(v2sf) =	vpush v57, $0xF;
	[tilespmem:v5+s13+$0x0] =	vst.idx.add.f32.msk vm10, v58  }
0xee: {  	[tilespmem:v5+s13+$0x0] =	vst.idx.add.f32.msk vm11, v3  }
0xef: {  	v3 =	vld [tilespmem:s21+$0x30];
	_ =	sdelay $0x4  }
0xf0: {  	(xrf2) =	vadd.scan.msk.f32 $0xffff, v3;
	_ =	sdelay $0x1  }
0xf1: {  	v59 =	vld [tilespmem:s21+$0x17B8]  }
0xf2: {  	v5 =	vld [tilespmem:s21+$0x17B9]  }
0xf3: {  	v6 =	vld [tilespmem:s21+$0x17B7];
	_ =	sdelay $0x3  }
0xf4: {  	vm12 =	vne.s32 v59, v5;
	s29 =	spop (v2sf)  }
0xf5: {  	vm13 =	vne.s32 v59, v6;
	s22 =	sadd.f32 s29, s22  }
0xf6: {  	v60, _, _ =	vpop (xrf2)  }
0xf7: {  	v61 =	vadd.f32 s22, v60;
	_ =	sdelay $0x1  }
0xf8: {  	v3 =	vsub.f32 v3, v61  }
0xf9: {  	[tilespmem:v59+s13+$0x0] =	vst.idx.add.f32.msk vm12, v61  }
0xfa: {  	[tilespmem:v59+s13+$0x0] =	vst.idx.add.f32.msk vm13, v3  }
0xfb: {  	v3 =	vld [tilespmem:s21+$0x40];
	_ =	sdelay $0x4  }
0xfc: {  	(xrf2) =	vadd.scan.msk.f32 $0xffff, v3;
	_ =	sdelay $0x1  }
0xfd: {  	(v2sf) =	vpush v60, $0xF;
	_ =	sdelay $0x7  }
0xfe: {  	v62, _, _ =	vpop (xrf2)  }
0xff: {  	v63 =	vld [tilespmem:s21+$0x17C8];
	(v2sf) =	vpush v62, $0xF  }
0x100: {  	v6 =	vld [tilespmem:s21+$0x17C9]  }
0x101: {  	v7 =	vld [tilespmem:s21+$0x17C7];
	_ =	sdelay $0x3  }
0x102: {  	vm14 =	vne.s32 v63, v6;
	s30 =	spop (v2sf)  }
0x103: {  	vm15 =	vne.s32 v63, v7;
	s21 =	sadd.f32 s30, s22;
	_ =	sdelay $0x1  }
0x104: {  	v4 =	vadd.f32 s21, v62;
	_ =	sdelay $0x1  }
0x105: {  	v3 =	vsub.f32 v3, v4  }
0x106: {  	[tilespmem:v63+s13+$0x0] =	vst.idx.add.f32.msk vm14, v4  }
0x107: {  	[tilespmem:v63+s13+$0x0] =	vst.idx.add.f32.msk vm15, v3  }
0x108: {  	[spmem:s5] =	stream.strided.scatter [tilespmem:s13], [sflag:$0x3], $0x400, s15, s14, $0x38;
	[tilespmem:$0x3F80] =	vst v63  }
0x109: {  	s31 =	spop (v2sf)  }
.Ltmp4:
0x10a: {  	_ =	swait.ge [sflag:s16], $0x400;
	(pc) =	sbr.rel @p0 .LBB2_9-.Ltmp4, $3  }
0x10b: {  	[sflag:s16] =	ssyncset.done $0x0  }
0x10c: {  	[sflag:s16] =	ssyncadd.s32 $0xFFFFFC00  }
0x10d: {  	[bflag:$0x0] =	sbarrier.arrive $0xFFFF;
	_ =	sdelay $0x1  }
0x10e: {  	[tilespmem:s18], [sflag:$0x3] =	stream.strided.gather [spmem:s6], $0x800, s17, s15, $0x38;
	[tilespmem:$0x3F80] =	vst v63  }
0x10f: {  	_ =	swait.ge [sflag:s16], $0x800  }
0x110: {  	[sflag:s16] =	ssyncset.done $0x0  }
0x111: {  	s22 =	simm.s32 $0x0;
	[sflag:s16] =	ssyncadd.s32 $0xFFFFF800  }
0x112: {  	v3 =	vld [tilespmem:s22+$0x3700]  }
0x113: {  	v4 =	vld [tilespmem:s22+$0x3780];
	_ =	sdelay $0x1  }
0x114: {  	v5 =	vld [tilespmem:s22+$0x3800];
	_ =	sdelay $0x1  }
0x115: {  	v6 =	vld [tilespmem:s22+$0x3880]  }
0x116: {  	v3 =	vadd.f32 v4, v3  }
0x117: {  	v4 =	vld [tilespmem:s22+$0x3900]  }
0x118: {  	v3 =	vadd.f32 v5, v3  }
0x119: {  	v5 =	vld [tilespmem:s22+$0x3980]  }
0x11a: {  	v3 =	vadd.f32 v6, v3  }
0x11b: {  	v6 =	vld [tilespmem:s22+$0x3A00]  }
0x11c: {  	v3 =	vadd.f32 v4, v3  }
0x11d: {  	v4 =	vld [tilespmem:s22+$0x3A80]  }
0x11e: {  	s21 =	simm.s32 $0x10;
	v7 =	vld [tilespmem:s22+$0x3B00];
	v3 =	vadd.f32 v5, v3  }
0x11f: {  	v8 =	vld [tilespmem:s21+$0x3700]  }
0x120: {  	v5 =	vld [tilespmem:s22+$0x3B80];
	v3 =	vadd.f32 v6, v3  }
0x121: {  	v6 =	vld [tilespmem:s21+$0x3780]  }
0x122: {  	v9 =	vld [tilespmem:s21+$0x3800];
	v3 =	vadd.f32 v4, v3  }
0x123: {  	v4 =	vld [tilespmem:s22+$0x3C00]  }
0x124: {  	v10 =	vld [tilespmem:s21+$0x3880];
	v3 =	vadd.f32 v7, v3  }
0x125: {  	v7 =	vld [tilespmem:s22+$0x3C80]  }
0x126: {  	v6 =	vadd.f32 v6, v8;
	v8 =	vld [tilespmem:s21+$0x3900];
	v3 =	vadd.f32 v5, v3  }
0x127: {  	v5 =	vld [tilespmem:s22+$0x3D00]  }
0x128: {  	v6 =	vadd.f32 v9, v6;
	v9 =	vld [tilespmem:s21+$0x3980];
	v3 =	vadd.f32 v4, v3  }
0x129: {  	v4 =	vld [tilespmem:s22+$0x3D80]  }
0x12a: {  	v11 =	vld [tilespmem:s21+$0x3A00];
	v6 =	vadd.f32 v10, v6;
	v3 =	vadd.f32 v7, v3  }
0x12b: {  	v10 =	vld [tilespmem:s22+$0x3E00]  }
0x12c: {  	v7 =	vadd.f32 v8, v6;
	v6 =	vld [tilespmem:s21+$0x3A80];
	v8 =	vadd.f32 v5, v3  }
0x12d: {  	v5 =	vld [tilespmem:s22+$0x3E80]  }
0x12e: {  	v3 =	vld [tilespmem:s21+$0x3B80];
	v9 =	vadd.f32 v9, v7;
	v12 =	vadd.f32 v4, v8  }
0x12f: {  	s23 =	simm.s32 $0x20;
	v7 =	vld [tilespmem:s21+$0x3B00]  }
0x130: {  	s24 =	simm.s32 $0xC0;
	v4 =	vld [tilespmem:s23+$0x3700];
	v8 =	vadd.f32 v11, v9;
	v9 =	vadd.f32 v10, v12  }
.LBB2_7:
0x131: {  	p1 =	sne.s32 s24, $0x1C0;
	v10 =	vld [tilespmem:s23+$0x3780]  }
0x132: {  	v6 =	vadd.f32 v6, v8;
	v5 =	vadd.f32 v5, v9;
	v8 =	vld [tilespmem:s21+$0x3C00]  }
0x133: {  	v9 =	vld [tilespmem:s23+$0x3800]  }
0x134: {  	v6 =	vadd.f32 v7, v6;
	v7 =	vld [tilespmem:s21+$0x3C80];
	[tilespmem:s22+$0x3F00] =	vst v5;
	s22 =	smov.u32 s21;
	s21 =	smov.u32 s23  }
0x135: {  	v5 =	vld [tilespmem:s21+$0x3880]  }
0x136: {  	v3 =	vadd.f32 v3, v6;
	v4 =	vadd.f32 v10, v4;
	v6 =	vld [tilespmem:s22+$0x3D00]  }
0x137: {  	v10 =	vld [tilespmem:s21+$0x3900]  }
0x138: {  	v3 =	vadd.f32 v8, v3;
	v4 =	vadd.f32 v9, v4;
	v8 =	vld [tilespmem:s22+$0x3D80]  }
0x139: {  	v9 =	vld [tilespmem:s21+$0x3980]  }
0x13a: {  	v3 =	vadd.f32 v7, v3;
	v4 =	vadd.f32 v5, v4;
	v11 =	vld [tilespmem:s22+$0x3E00]  }
0x13b: {  	v12 =	vld [tilespmem:s21+$0x3A00]  }
.Ltmp5:
0x13c: {  	v7 =	vadd.f32 v6, v3;
	v4 =	vadd.f32 v10, v4;
	v5 =	vld [tilespmem:s22+$0x3E80];
	(pc) =	sbr.rel @p1 .LBB2_7-.Ltmp5, $4  }
0x13d: {  	v6 =	vld [tilespmem:s21+$0x3A80]  }
0x13e: {  	v10 =	vadd.f32 v8, v7;
	v9 =	vadd.f32 v9, v4;
	v3 =	vld [tilespmem:s21+$0x3B80]  }
0x13f: {  	s23 =	sshra.s32 s24, $0x2;
	v7 =	vld [tilespmem:s21+$0x3B00]  }
0x140: {  	s24 =	sadd.s32 $0x40, s24;
	v4 =	vld [tilespmem:s23+$0x3700];
	v8 =	vadd.f32 v12, v9;
	v9 =	vadd.f32 v11, v10  }
.Ltmp6:
0x141: {  	_ = 	snop;
	(pc) =	sbr.rel .LBB2_8-.Ltmp6, $1  }
0x142: {  	_ =	sdelay $0x3  }
.LBB2_10:
0x143: {  	_ =	sfence.sel $0x180000  }
0x144: {  	[bflag:$0x0] =	sbarrier.arrive $0xFFFF  }
0x145: {  	p0 =	sne.s32 s1, $0x0;
	_ =	strace $0x9000004A  }
0x146: {  	s0 =	sadd.s32 @!p0 $0x100000, s0;
	[bflag:$0x2] =	sbarrier.arrive $0xFFFF  }
0x147: {  	[sflag:s0] =	ssyncadd.tile.s32 @!p0 $0x1;
	_ =	shalt  }
.Lfunc_end2:
_tile_overlayer_lowered:
.L_overlay_start_2:
0x148: {  	(tag) =	ssettag $0x2  }
0x149: {  	s0 =	rddreg [dreg:$0x0];
	s2 =	stileid.u32  }
0x14a: {  	s1 =	rddreg [dreg:$0x1];
	p0 =	sne.s32 s2, $0x0  }
0x14b: {  	s3 =	rddreg [dreg:$0x2];
	[bflag:$0x3] =	sbarrier.arrive $0xFFFF;
	s2 =	simm.s32 @!p0 $0x1C03  }
0x14c: {  	[timem:s3], [sflag:s2] =	dma.local @!p0 [hbm:s0], s1  }
0x14d: {  	s0 =	simm.s32 @!p0 $0x3  }
0x14e: {  	_ =	swait.ge @!p0 [sflag:s0], s1  }
0x14f: {  	s1 =	ssub.s32 @!p0 $0x0, s1;
	[sflag:s0] =	ssyncset.done @!p0 $0x0  }
0x150: {  	[sflag:s0] =	ssyncadd.s32 @!p0 s1  }
0x151: {  	[bflag:$0x3] =	sbarrier.arrive $0xFFFF  }
0x152: {  	_ =	shalt  }

// kernel: kernel.9.cloned.1.call-start
scs
__scs_entry_jumppad:
0x0: {  	(pc) =	sbr.rel $0x88, $3  }
0x1: {  	(tag) =	ssettag $0x0;
	lr =	simm.s32 $0x1  }
0x2: {  	[smem:$0x3F9B] =	sst lr;
	_ =	strace $0xD0000000  }
0x3: {  	_ = 	snop  }
0x4: {  	_ = 	snop  }
0x5: {  	_ = 	snop  }
0x6: {  	_ = 	snop  }
0x7: {  	_ = 	snop  }
__scs_overlays_trampoline_lowered:
0x8: {  	[smem:$0x3FAA] =	sst s0  }
0x9: {  	[smem:$0x3FAB] =	sst s1  }
0xa: {  	[smem:$0x3FAC] =	sst s2  }
0xb: {  	[smem:$0x3FAD] =	sst s3  }
0xc: {  	[smem:$0x3FAE] =	sst s4  }
0xd: {  	[smem:$0x3FAF] =	sst s5  }
0xe: {  	[smem:$0x3FB0] =	sst s6  }
0xf: {  	[smem:$0x3FB1] =	sst s7  }
0x10: {  	[smem:$0x3FB2] =	sst s8  }
0x11: {  	[smem:$0x3FB3] =	sst s9;
	s0 =	simm.s32 @!p0 $0x0  }
0x12: {  	s1 =	sld [smem:$0x3F99];
	s0 =	simm.s32 @p0 $0x1  }
0x13: {  	[smem:$0x3FB4] =	sst s0;
	s0 =	simm.s32 @!p1 $0x0  }
0x14: {  	s2 =	sld [smem:$0x3F98];
	s0 =	simm.s32 @p1 $0x1  }
0x15: {  	[smem:$0x3FB5] =	sst s0;
	s0 =	simm.s32 @!p2 $0x0  }
0x16: {  	s3 =	sld [smem:$0x3FDB];
	s0 =	simm.s32 @p2 $0x1  }
0x17: {  	s4 =	simm.s32 $0x1BF5;
	[smem:$0x3FB7] =	sst s0  }
0x18: {  	s0 =	sld [smem:$0x3F9A];
	_ =	swait.ge [sflag:s4], $0x0  }
0x19: {  	s7 =	sld [smem:$0x3F9B]  }
0x1a: {  	s8 =	sadd.s32 $0xFFFFE003, lr  }
0x1b: {  	s9 =	sadd.s32 $0xFFFFFEF7, lr;
	s5 =	simm.s32 $0xFFFFFFFF;
	p2 =	slt.u32 s8, $0xFFFFF086  }
0x1c: {  	p1 =	slt.u32 s9, $0xF7A;
	s5 =	simm.s32 @!p2 $0x0  }
0x1d: {  	s5 =	simm.s32 @p1 $0x1;
	p0 =	seq.s32 s7, s2  }
0x1e: {  	s7 =	smul.u32 @!p0 $0xF7A, s2;
	p2 =	seq.s32 @!p0 s5, $0x0  }
0x1f: {  	s9 =	smul.u32 $0xF7A, s1;
	s8 =	simm.s32 @!p0 $0x1BF5;
	p2 =	por !p2, p0  }
0x20: {  	[sflag:s8] =	ssyncset.s32 @!p0 $0xFFFFF086;
	s6 =	sadd.s32 @!p0 s3, s7;
	s7 =	simm.s32 @!p0 $0x108  }
0x21: {  	s3 =	sadd.s32 s3, s9;
	s6 =	sadd.s32 @!p0 $0x88, s6;
	s7 =	simm.s32 @p2 $0x1082  }
0x22: {  	[simem:s7], [sflag:s8] =	dma.local @!p0 [hbm:s6], $0xF7A  }
0x23: {  	s9 =	sor.u32 $0xD0000000, s2;
	s6 =	simm.s32 $0x108;
	_ =	swait.ge @!p0 [sflag:s8], $0x0  }
0x24: {  	s3 =	sadd.s32 $0x88, s3;
	s6 =	simm.s32 @!p1 $0x1082;
	[sflag:s4] =	ssyncset.s32 $0xFFFFF086  }
0x25: {  	[simem:s6], [sflag:s4] =	dma.local [hbm:s3], $0xF7A  }
0x26: {  	[smem:$0x3F9B] =	sst s1;
	(tag) =	ssettag s2;
	_ =	strace s9  }
0x27: {  	s1 =	sld [smem:$0x3FAB]  }
0x28: {  	s2 =	sld [smem:$0x3FAC]  }
0x29: {  	s4 =	sld [smem:$0x3FAE]  }
0x2a: {  	p0 =	seq.s32 s5, $0x0;
	s5 =	sld [smem:$0x3FAF]  }
0x2b: {  	s6 =	sld [smem:$0x3FB0]  }
0x2c: {  	s7 =	sld [smem:$0x3FB1]  }
0x2d: {  	s3 =	simm.s32 $0x108;
	s8 =	sld [smem:$0x3FB2]  }
0x2e: {  	s3 =	simm.s32 @!p0 $0x1082;
	s9 =	sld [smem:$0x3FB3]  }
0x2f: {  	lr =	sadd.s32 s0, s3;
	s0 =	sld [smem:$0x3FAA]  }
0x30: {  	s3 =	sld [smem:$0x3FAD]  }
0x31: {  	[smem:$0x3FB6] =	sst s10  }
0x32: {  	s10 =	sld [smem:$0x3FB4];
	_ =	sdelay $0x3  }
0x33: {  	p0 =	seq.s32 s10, $0x1;
	s10 =	sld [smem:$0x3FB6];
	_ =	sdelay $0x3  }
0x34: {  	[smem:$0x3FB6] =	sst s10  }
0x35: {  	s10 =	sld [smem:$0x3FB5];
	_ =	sdelay $0x3  }
0x36: {  	p1 =	seq.s32 s10, $0x1;
	s10 =	sld [smem:$0x3FB6];
	_ =	sdelay $0x3  }
0x37: {  	[smem:$0x3FB6] =	sst s10  }
0x38: {  	s10 =	sld [smem:$0x3FB7]  }
0x39: {  	_ = 	snop;
	(pc) =	sbr.ind lr, $3  }
0x3a: {  	_ = 	snop  }
0x3b: {  	_ = 	snop  }
0x3c: {  	p2 =	seq.s32 s10, $0x1;
	s10 =	sld [smem:$0x3FB6]  }
0x3d: {  	_ =	shalt  }
0x3e: {  	_ =	shalt  }
0x3f: {  	_ =	shalt  }
0x40: {  	_ =	shalt  }
0x41: {  	_ =	shalt  }
0x42: {  	_ =	shalt  }
0x43: {  	_ =	shalt  }
0x44: {  	_ =	shalt  }
0x45: {  	_ =	shalt  }
0x46: {  	_ =	shalt  }
0x47: {  	_ =	shalt  }
0x48: {  	_ =	shalt  }
0x49: {  	_ =	shalt  }
0x4a: {  	_ =	shalt  }
0x4b: {  	_ =	shalt  }
0x4c: {  	_ =	shalt  }
0x4d: {  	_ =	shalt  }
0x4e: {  	_ =	shalt  }
0x4f: {  	_ =	shalt  }
0x50: {  	_ =	shalt  }
0x51: {  	_ =	shalt  }
0x52: {  	_ =	shalt  }
0x53: {  	_ =	shalt  }
0x54: {  	_ =	shalt  }
0x55: {  	_ =	shalt  }
0x56: {  	_ =	shalt  }
0x57: {  	_ =	shalt  }
0x58: {  	_ =	shalt  }
0x59: {  	_ =	shalt  }
0x5a: {  	_ =	shalt  }
0x5b: {  	_ =	shalt  }
0x5c: {  	_ =	shalt  }
0x5d: {  	_ =	shalt  }
0x5e: {  	_ =	shalt  }
0x5f: {  	_ =	shalt  }
0x60: {  	_ =	shalt  }
0x61: {  	_ =	shalt  }
0x62: {  	_ =	shalt  }
0x63: {  	_ =	shalt  }
0x64: {  	_ =	shalt  }
0x65: {  	_ =	shalt  }
0x66: {  	_ =	shalt  }
0x67: {  	_ =	shalt  }
0x68: {  	_ =	shalt  }
0x69: {  	_ =	shalt  }
0x6a: {  	_ =	shalt  }
0x6b: {  	_ =	shalt  }
0x6c: {  	_ =	shalt  }
0x6d: {  	_ =	shalt  }
0x6e: {  	_ =	shalt  }
0x6f: {  	_ =	shalt  }
0x70: {  	_ =	shalt  }
0x71: {  	_ =	shalt  }
0x72: {  	_ =	shalt  }
0x73: {  	_ =	shalt  }
0x74: {  	_ =	shalt  }
0x75: {  	_ =	shalt  }
0x76: {  	_ =	shalt  }
0x77: {  	_ =	shalt  }
0x78: {  	_ =	shalt  }
0x79: {  	_ =	shalt  }
0x7a: {  	_ =	shalt  }
0x7b: {  	_ =	shalt  }
0x7c: {  	_ =	shalt  }
0x7d: {  	_ =	shalt  }
0x7e: {  	_ =	shalt  }
0x7f: {  	_ =	shalt  }
0x80: {  	_ =	shalt  }
0x81: {  	_ =	shalt  }
0x82: {  	_ =	shalt  }
0x83: {  	_ =	shalt  }
0x84: {  	_ =	shalt  }
0x85: {  	_ =	shalt  }
0x86: {  	_ =	shalt  }
0x87: {  	_ =	shalt  }
.Lfunc_end0:
.L_simem_size_0:
called_computation.1_lowered:
.L_overlay_start_0:
0x88: {  	s2 =	sld [smem:$0x3FD9]  }
0x89: {  	s3 =	sld [smem:$0x3FFE];
	_ =	sdelay $0x1  }
0x8a: {  	s1 =	srdreg.scid  }
0x8b: {  	s0 =	sand.u32 $0x1, s1  }
0x8c: {  	s17 =	sshll.u32 s0, $0xA;
	s2 =	sadd.s32 s3, s2  }
0x8d: {  	s2 =	sadd.s32 s2, s17  }
0x8e: {  	[smem:$0x3FC2] =	sst s2  }
0x8f: {  	_ = 	snop  }
0x90: {  	s2 =	sld [smem:$0x3FC8];
	(tm) =	ssettm $0x1  }
0x91: {  	s18 =	sld [smem:$0x3FFB];
	_ =	sdelay $0x3  }
0x92: {  	_ =	strace s18  }
0x93: {  	s3 =	sld [smem:$0x3FFC];
	_ =	sdelay $0x3  }
0x94: {  	_ =	strace s3  }
0x95: {  	s3 =	sld [smem:$0x3FFD];
	_ =	sdelay $0x3  }
0x96: {  	_ =	strace s3  }
0x97: {  	_ =	strace $0x8FFFFFFF  }
0x98: {  	s19 =	sld [smem:$0x3FDB];
	_ =	sdelay $0x1  }
0x99: {  	s4 =	simm.s32 $_scs_section_size  }
0x9a: {  	s5 =	simm.s32 $_size__tile_overlayer_lowered;
	s6 =	simm.s32 $_tile_overlayer_lowered  }
0x9b: {  	s22 =	simm.s32 $0x1BFF;
	s21 =	sshll.u32 s6, $0x1;
	s3 =	sadd.s32 s4, s19  }
0x9c: {  	s7 =	simm.s32 $0x0;
	s20 =	sshll.u32 s5, $0x1;
	s5 =	sadd.s32 s21, s3  }
0x9d: {  	[timem:s7], [sflag:s22] =	dma.local [hbm:s5], s20  }
0x9e: {  	_ =	swait.ge [sflag:s22], s20  }
0x9f: {  	s4 =	ssub.s32 $0x0, s20;
	[sflag:s22] =	ssyncset.done $0x0  }
0xa0: {  	[sflag:s22] =	ssyncadd.s32 s4;
	_ =	sdelay $0x1  }
0xa1: {  	s23 =	simm.s32 $0x1B8B  }
0xa2: {  	_ =	swait.ge [sflag:s23], $0x1  }
0xa3: {  	[sflag:s23] =	ssyncset.done $0x0  }
0xa4: {  	s25 =	simm.s32 $0x1B8E;
	s24 =	sld [smem:$0x3FFE];
	[sflag:s23] =	ssyncadd.s32 $0xFFFFFFFF  }
0xa5: {  	s26 =	simm.s32 $execute0_lowered;
	[smem:$0x3FD2] =	sst s25  }
0xa6: {  	s5 =	sshll.u32 s26, $0x1;
	_ =	strace $0x80000046;
	[dreg:$0x1] =	wrdreg $0xFFFFFFFF  }
0xa7: {  	s28 =	simm.s32 $_size_execute0_lowered;
	s3 =	sadd.s32 s3, s5;
	[dreg:$0x0] =	wrdreg $0x0  }
0xa8: {  	s5 =	sshll.u32 s28, $0x1;
	[dreg:$0x2] =	wrdreg s3  }
0xa9: {  	[dreg:$0x3] =	wrdreg s5  }
0xaa: {  	[dreg:$0x4] =	wrdreg $0xC0  }
0xab: {  	_ =	task [dreg:s7], $0x5FFFF  }
0xac: {  	[dreg:$0x1] =	wrdreg $0xFFFFFFFF  }
0xad: {  	[dreg:$0x0] =	wrdreg $0x60  }
0xae: {  	[dreg:$0x2] =	wrdreg s24  }
0xaf: {  	[dreg:$0x3] =	wrdreg s2  }
0xb0: {  	[dreg:$0x4] =	wrdreg $0x24000  }
0xb1: {  	[dreg:$0x5] =	wrdreg $0xA  }
0xb2: {  	_ =	task.clear_ibuf [dreg:s7], $0x6FFFF;
	_ =	strace $0x90000046  }
0xb3: {  	s29 =	simm.s32 $0xA;
	_ =	strace $0x80000048  }
0xb4: {  	_ =	swait.ge [sflag:s29], $0x1  }
0xb5: {  	[sflag:s29] =	ssyncadd.s32 $0xFFFFFFFF  }
0xb6: {  	_ =	strace $0x90000048  }
0xb7: {  	_ =	sfence  }
0xb8: {  	s30 =	sld [smem:$0x0];
	_ =	sdelay $0x2  }
0xb9: {  	s31 =	sshll.u32 s1, $0xD;
	s1 =	sshrl.u32 s1, $0x2  }
0xba: {  	s3 =	sand.u32 $0x4000, s31;
	s1 =	sadd.s32 s1, s30  }
0xbb: {  	s0 =	sor.u32 s3, s0;
	s1 =	sshll.u32 s1, $0x11  }
0xbc: {  	s0 =	sor.u32 s1, s0  }
0xbd: {  	s0 =	sadd.s32 $0x8F2B, s0  }
0xbe: {  	[sflag:s0] =	ssyncadd.remote.s32 $0x1  }
0xbf: {  	_ =	sfence.sel $0xFFFF  }
0xc0: {  	[dreg:$0x0] =	wrdreg $0xFFFFFFFF;
	(pc) =	sbr.abs _section_cstart, $3  }
0xc1: {  	[dreg:$0x1] =	wrdreg $0xFFFFFFFF  }
0xc2: {  	_ =	task.clear_ibuf [dreg:s7], $0x2FFFF;
	_ =	strace $0x9FFFFFFF  }
0xc3: {  	(tm) =	ssettm $0x7FFFFFFF  }
tec
execute0_lowered:
.L_overlay_start_1:
0x0: {  	(tag) =	ssettag $0x1  }
0x1: {  	s3 =	rddreg [dreg:$0x0]  }
0x2: {  	s5 =	rddreg [dreg:$0x1]  }
0x3: {  	s0 =	srdreg.scid;
	s7 =	rddreg [dreg:$0x2]  }
0x4: {  	s1 =	rddreg [dreg:$0x3];
	s2 =	simm.s32 $0x0;
	s12 =	simm.s32 $0x2  }
0x5: {  	v0 =	vimm.s32 $0x76543210;
	s13 =	simm.s32 $0x2000;
	s14 =	simm.s32 $0x80;
	s15 =	simm.s32 $0x400  }
0x6: {  	s16 =	simm.s32 $0x3;
	s17 =	simm.s32 $0x2800;
	s18 =	simm.s32 $0x3000;
	v0 =	vunpack.c.l.s4.s8 v0  }
0x7: {  	s19 =	simm.s32 $0x0;
	s4 =	sand.u32 $0x1, s0;
	[smem:$0x7FF] =	sst s2  }
0x8: {  	s0 =	stileid.u32;
	s6 =	sshll.u32 s4, $0x4;
	_ =	strace $0x80000047;
	v0 =	vunpack.c.0.s8.s32 v0  }
0x9: {  	vm0 =	vcmask $0x1F00;
	s4 =	ssub.s32 $0x2, s4;
	s26 =	sshll.u32 s0, $0xA;
	s30 =	sshll.u32 s0, $0x7  }
0xa: {  	vm9 =	vcmask $0x2320;
	s11 =	sshll.u32 s0, $0x5;
	p0 =	sgt.u32 s0, $0x7;
	s8 =	sor.u32 s0, s6;
	v0 =	vnsel vm0, $0xFAF, v0  }
0xb: {  	vm10 =	vcmask $0x2724;
	s6 =	sadd.s32 s6, s3;
	s25 =	sshrl.u32 s4, $0x1;
	s8 =	smul.u32 $0xFA0, s8;
	v0 =	vsel vm9, $0xFA8, v0  }
0xc: {  	vm11 =	vcmask $0x2B28;
	s29 =	sand.u32 $0x2000, s26;
	s10 =	ssub.s32 s4, s25;
	s31 =	sadd.s32 s11, s6;
	v0 =	vsel vm10, $0xFA9, v0  }
.Ltmp0:
0xd: {  	vm12 =	vcmask $0x2F2C;
	s6 =	sadd.s32 s26, s7;
	s8 =	sshrl.u32 s8, $0x3;
	v0 =	vsel vm11, $0xFAA, v0;
	(pc) =	sbr.rel .LBB2_1-.Ltmp0, $4  }
0xe: {  	vm13 =	vcmask $0x3330;
	s11 =	simm.s32 $0x1;
	s9 =	sadd.s32 s8, s3;
	s28 =	sadd.s32 s5, s8;
	v0 =	vsel vm12, $0xFAB, v0  }
0xf: {  	vm14 =	vcmask $0x3734;
	s8 =	sand.u32 $0x380, s30;
	s5 =	sadd.s32 s29, s7;
	s7 =	sadd.s32 $0x4A00, s31;
	v0 =	vsel vm13, $0xFAC, v0  }
0x10: {  	vm15 =	vcmask $0x3B38;
	s3 =	sadd.s32 $0xA00, s9;
	s4 =	sadd.s32 $0x5DC0, s28;
	s5 =	sadd.s32 s8, s5;
	v0 =	vsel vm14, $0xFAD, v0  }
0x11: {  	v1 =	vimm.s32 $0xFFFFFFFF;
	v2 =	vimm.f32 $0.0e+00;
	s8 =	smax.u32 s10, $0x1;
	s9 =	simm.s32 $0x1000;
	s10 =	simm.s32 $0x1008;
	v0 =	vsel vm15, $0xFAE, v0  }
.LBB2_8:
0x12: {  	v10 =	vld [tilespmem:s22+$0x2880]  }
0x13: {  	v11 =	vld [tilespmem:s20+$0x2D00];
	v5 =	vadd.f32 v5, v9  }
0x14: {  	v47 =	vld [tilespmem:s22+$0x2900]  }
0x15: {  	v12 =	vld [tilespmem:s20+$0x2D80];
	v6 =	vadd.f32 v6, v8;
	[tilespmem:s21+$0x3000] =	vst v5  }
0x16: {  	v5 =	vld [tilespmem:s22+$0x2980]  }
0x17: {  	v6 =	vadd.f32 v7, v6;
	v4 =	vadd.f32 v10, v4  }
0x18: {  	v48 =	vld [tilespmem:s22+$0x2A00]  }
0x19: {  	v49 =	vld [tilespmem:s20+$0x2E00];
	v3 =	vadd.f32 v3, v6;
	v4 =	vadd.f32 v47, v4  }
0x1a: {  	v50 =	vld [tilespmem:s22+$0x2A80]  }
0x1b: {  	v51 =	vld [tilespmem:s20+$0x2E80];
	v3 =	vadd.f32 v11, v3;
	v4 =	vadd.f32 v5, v4  }
0x1c: {  	v52 =	vld [tilespmem:s22+$0x2B00]  }
0x1d: {  	v53 =	vld [tilespmem:s20+$0x2F00];
	v3 =	vadd.f32 v12, v3;
	v4 =	vadd.f32 v48, v4  }
0x1e: {  	v54 =	vld [tilespmem:s22+$0x2B80]  }
0x1f: {  	v55 =	vld [tilespmem:s20+$0x2F80];
	v3 =	vadd.f32 v49, v3;
	v4 =	vadd.f32 v50, v4  }
0x20: {  	v56 =	vld [tilespmem:s22+$0x2C00]  }
0x21: {  	v3 =	vadd.f32 v51, v3;
	v4 =	vadd.f32 v52, v4  }
0x22: {  	v57 =	vld [tilespmem:s22+$0x2C80]  }
0x23: {  	v3 =	vadd.f32 v53, v3;
	v4 =	vadd.f32 v54, v4  }
0x24: {  	v58 =	vld [tilespmem:s22+$0x2D00]  }
0x25: {  	v3 =	vadd.f32 v55, v3;
	v4 =	vadd.f32 v56, v4  }
0x26: {  	v59 =	vld [tilespmem:s22+$0x2D80]  }
0x27: {  	[tilespmem:s20+$0x3000] =	vst v3;
	v3 =	vadd.f32 v57, v4  }
0x28: {  	v60 =	vld [tilespmem:s22+$0x2E00]  }
0x29: {  	v3 =	vadd.f32 v58, v3  }
0x2a: {  	v61 =	vld [tilespmem:s22+$0x2E80]  }
0x2b: {  	v3 =	vadd.f32 v59, v3  }
0x2c: {  	v62 =	vld [tilespmem:s22+$0x2F00]  }
0x2d: {  	v3 =	vadd.f32 v60, v3  }
0x2e: {  	v63 =	vld [tilespmem:s22+$0x2F80]  }
0x2f: {  	v3 =	vadd.f32 v61, v3;
	_ =	sdelay $0x1  }
0x30: {  	v3 =	vadd.f32 v62, v3;
	_ =	sdelay $0x1  }
0x31: {  	v3 =	vadd.f32 v63, v3;
	_ =	sdelay $0x1  }
0x32: {  	[tilespmem:s22+$0x3000] =	vst v3  }
0x33: {  	[hbm4b:s7+s2] =	stream.linear.scatter [tilespmem:s18], [sflag:$0x3], $0x80, $0x38;
	[tilespmem:$0x3080] =	vst v63  }
0x34: {  	_ =	swait.ge [sflag:s16], $0x80  }
0x35: {  	[sflag:s16] =	ssyncset.done $0x0  }
0x36: {  	[sflag:s16] =	ssyncadd.s32 $0xFFFFFF80  }
.LBB2_9:
0x37: {  	s19 =	sadd.s32 $0x1, s19  }
0x38: {  	p1 =	sne.s32 s19, s8  }
.Ltmp1:
0x39: {  	_ = 	snop;
	(pc) =	sbr.rel @!p1 .LBB2_10-.Ltmp1, $1  }
0x3a: {  	_ =	sdelay $0x3  }
.LBB2_1:
0x3b: {  	_ =	sdelay $0x3  }
0x3c: {  	[tilespmem:v0+s9+$0x0] =	vst.idx.msk $0xffff, v1  }
0x3d: {  	[tilespmem:s2], [sflag:$0x1] =	stream.linear.gather [hbm4b:s3+s2], $0xFA0, $0x38;
	[tilespmem:$0x3080] =	vst v63  }
0x3e: {  	s20 =	simm.s32 $0x40;
	s21 =	simm.s32 $0x0  }
0x3f: {  	[tilespmem:s10], [sflag:$0x2] =	stream.linear.gather [hbm4b:s4+s2], $0xFA0, $0x38;
	[tilespmem:$0x3080] =	vst v63  }
.LBB2_2:
0x40: {  	p1 =	sne.s32 s20, $0xFC0;
	[tilespmem:s21+$0x2000] =	vst v2;
	s21 =	smov.u32 s20;
	s20 =	sadd.s32 $0x40, s20  }
.Ltmp2:
0x41: {  	(pc) =	sbr.rel @p1 .LBB2_2-.Ltmp2, $2  }
0x42: {  	_ =	sdelay $0x2  }
0x43: {  	s21 =	sshra.s32 s21, $0x2  }
0x44: {  	[tilespmem:s21+$0x2000] =	vst v2  }
0x45: {  	_ =	swait.ge [sflag:s11], $0xFA0  }
0x46: {  	[sflag:s11] =	ssyncset.done $0x0  }
0x47: {  	[sflag:s11] =	ssyncadd.s32 $0xFFFFF060  }
0x48: {  	_ =	swait.ge [sflag:s12], $0xFA0  }
0x49: {  	[sflag:s12] =	ssyncset.done $0x0  }
0x4a: {  	s20 =	simm.s32 $0x0;
	[sflag:s12] =	ssyncadd.s32 $0xFFFFF060  }
0x4b: {  	v3 =	vld [tilespmem:s20+$0x0];
	_ =	sdelay $0x4  }
0x4c: {  	(xrf2) =	vadd.scan.msk.f32 $0xffff, v3;
	_ =	sdelay $0x1  }
0x4d: {  	v4 =	vld [tilespmem:s20+$0x1009]  }
0x4e: {  	v5 =	vld [tilespmem:s20+$0x1008]  }
0x4f: {  	v6 =	vld [tilespmem:s20+$0x1007];
	_ =	sdelay $0x3  }
0x50: {  	vm0 =	vne.s32 v5, v4  }
0x51: {  	vm1 =	vne.s32 v5, v6  }
0x52: {  	s28 =	simm.f32 $0.0e+00;
	v4, _, _ =	vpop (xrf2)  }
0x53: {  	v6 =	vadd.f32 s28, v4;
	_ =	sdelay $0x1  }
0x54: {  	v3 =	vsub.f32 v3, v6  }
0x55: {  	(v2sf) =	vpush v4, $0xF;
	[tilespmem:v5+s13+$0x0] =	vst.idx.add.f32.msk vm0, v6  }
0x56: {  	[tilespmem:v5+s13+$0x0] =	vst.idx.add.f32.msk vm1, v3  }
0x57: {  	v3 =	vld [tilespmem:s20+$0x10];
	_ =	sdelay $0x4  }
0x58: {  	(xrf2) =	vadd.scan.msk.f32 $0xffff, v3;
	_ =	sdelay $0x1  }
0x59: {  	v4 =	vld [tilespmem:s20+$0x1019]  }
0x5a: {  	v5 =	vld [tilespmem:s20+$0x1018]  }
0x5b: {  	v6 =	vld [tilespmem:s20+$0x1017];
	_ =	sdelay $0x3  }
0x5c: {  	vm8 =	vne.s32 v5, v4;
	s22 =	spop (v2sf)  }
0x5d: {  	vm9 =	vne.s32 v5, v6;
	s21 =	sadd.f32 s22, s28  }
0x5e: {  	v4, _, _ =	vpop (xrf2)  }
0x5f: {  	v6 =	vadd.f32 s21, v4;
	_ =	sdelay $0x1  }
0x60: {  	v3 =	vsub.f32 v3, v6  }
0x61: {  	(v2sf) =	vpush v4, $0xF;
	[tilespmem:v5+s13+$0x0] =	vst.idx.add.f32.msk vm8, v6  }
0x62: {  	[tilespmem:v5+s13+$0x0] =	vst.idx.add.f32.msk vm9, v3  }
0x63: {  	v3 =	vld [tilespmem:s20+$0x20];
	_ =	sdelay $0x4  }
0x64: {  	(xrf2) =	vadd.scan.msk.f32 $0xffff, v3;
	_ =	sdelay $0x1  }
0x65: {  	v4 =	vld [tilespmem:s20+$0x1029]  }
0x66: {  	v5 =	vld [tilespmem:s20+$0x1028]  }
0x67: {  	v6 =	vld [tilespmem:s20+$0x1027];
	_ =	sdelay $0x3  }
0x68: {  	vm10 =	vne.s32 v5, v4;
	s29 =	spop (v2sf)  }
0x69: {  	vm11 =	vne.s32 v5, v6;
	s21 =	sadd.f32 s29, s21  }
0x6a: {  	v4, _, _ =	vpop (xrf2)  }
0x6b: {  	v6 =	vadd.f32 s21, v4;
	_ =	sdelay $0x1  }
0x6c: {  	v3 =	vsub.f32 v3, v6  }
0x6d: {  	(v2sf) =	vpush v4, $0xF;
	[tilespmem:v5+s13+$0x0] =	vst.idx.add.f32.msk vm10, v6  }
0x6e: {  	[tilespmem:v5+s13+$0x0] =	vst.idx.add.f32.msk vm11, v3  }
0x6f: {  	v3 =	vld [tilespmem:s20+$0x30];
	_ =	sdelay $0x4  }
0x70: {  	(xrf2) =	vadd.scan.msk.f32 $0xffff, v3;
	_ =	sdelay $0x1  }
0x71: {  	v4 =	vld [tilespmem:s20+$0x1038]  }
0x72: {  	v5 =	vld [tilespmem:s20+$0x1039]  }
0x73: {  	v6 =	vld [tilespmem:s20+$0x1037];
	_ =	sdelay $0x3  }
0x74: {  	vm12 =	vne.s32 v4, v5;
	s30 =	spop (v2sf)  }
0x75: {  	vm13 =	vne.s32 v4, v6;
	s21 =	sadd.f32 s30, s21  }
0x76: {  	v5, _, _ =	vpop (xrf2)  }
0x77: {  	v6 =	vadd.f32 s21, v5;
	_ =	sdelay $0x1  }
0x78: {  	v3 =	vsub.f32 v3, v6  }
0x79: {  	[tilespmem:v4+s13+$0x0] =	vst.idx.add.f32.msk vm12, v6  }
0x7a: {  	(v2sf) =	vpush v5, $0xF;
	[tilespmem:v4+s13+$0x0] =	vst.idx.add.f32.msk vm13, v3  }
0x7b: {  	v3 =	vld [tilespmem:s20+$0x40];
	_ =	sdelay $0x4  }
0x7c: {  	(xrf2) =	vadd.scan.msk.f32 $0xffff, v3;
	_ =	sdelay $0x2  }
0x7d: {  	v4 =	vld [tilespmem:s20+$0x1048]  }
0x7e: {  	v5 =	vld [tilespmem:s20+$0x1049]  }
0x7f: {  	v6 =	vld [tilespmem:s20+$0x1047];
	_ =	sdelay $0x3  }
0x80: {  	vm14 =	vne.s32 v4, v5;
	s31 =	spop (v2sf)  }
0x81: {  	vm15 =	vne.s32 v4, v6;
	s23 =	sadd.f32 s31, s21;
	v7, _, _ =	vpop (xrf2)  }
0x82: {  	(v2sf) =	vpush v7, $0xF  }
0x83: {  	v5 =	vadd.f32 s23, v7;
	_ =	sdelay $0x1  }
0x84: {  	v3 =	vsub.f32 v3, v5  }
0x85: {  	[tilespmem:v4+s13+$0x0] =	vst.idx.add.f32.msk vm14, v5  }
0x86: {  	s20 =	simm.s32 $0x50;
	[tilespmem:v4+s13+$0x0] =	vst.idx.add.f32.msk vm15, v3  }
0x87: {  	v3 =	vld [tilespmem:s20+$0x0];
	_ =	sdelay $0x4  }
0x88: {  	(xrf2) =	vadd.scan.msk.f32 $0xffff, v3;
	_ =	sdelay $0x1  }
0x89: {  	v5 =	vld [tilespmem:s20+$0x1009]  }
0x8a: {  	v4 =	vld [tilespmem:s20+$0x1008]  }
0x8b: {  	s21 =	simm.s32 $0x280;
	v6 =	vld [tilespmem:s20+$0x1007];
	s22 =	spop (v2sf)  }
.LBB2_4:
0x8c: {  	p1 =	sne.s32 s21, $0x3D40  }
0x8d: {  	s23 =	sadd.f32 s22, s23;
	s22 =	smov.u32 s21;
	s21 =	sadd.s32 $0x140, s21  }
0x8e: {  	_ = 	snop  }
0x8f: {  	vm0 =	vne.s32 v4, v5  }
0x90: {  	vm1 =	vne.s32 v4, v6  }
0x91: {  	v5, _, _ =	vpop (xrf2)  }
0x92: {  	v6 =	vadd.f32 s23, v5;
	(v2sf) =	vpush v5, $0xF;
	_ =	sdelay $0x1  }
0x93: {  	v3 =	vsub.f32 v3, v6  }
0x94: {  	[tilespmem:v4+s13+$0x0] =	vst.idx.add.f32.msk vm0, v6  }
0x95: {  	[tilespmem:v4+s13+$0x0] =	vst.idx.add.f32.msk vm1, v3  }
0x96: {  	v3 =	vld [tilespmem:s20+$0x10];
	_ =	sdelay $0x4  }
0x97: {  	(xrf2) =	vadd.scan.msk.f32 $0xffff, v3;
	_ =	sdelay $0x1  }
0x98: {  	v4 =	vld [tilespmem:s20+$0x1019]  }
0x99: {  	v5 =	vld [tilespmem:s20+$0x1018]  }
0x9a: {  	v6 =	vld [tilespmem:s20+$0x1017]  }
0x9b: {  	s24 =	spop (v2sf);
	_ =	sdelay $0x2  }
0x9c: {  	vm0 =	vne.s32 v5, v4  }
0x9d: {  	s23 =	sadd.f32 s24, s23;
	vm1 =	vne.s32 v5, v6  }
0x9e: {  	v4, _, _ =	vpop (xrf2)  }
0x9f: {  	v6 =	vadd.f32 s23, v4;
	(v2sf) =	vpush v4, $0xF;
	_ =	sdelay $0x1  }
0xa0: {  	v3 =	vsub.f32 v3, v6  }
0xa1: {  	[tilespmem:v5+s13+$0x0] =	vst.idx.add.f32.msk vm0, v6  }
0xa2: {  	[tilespmem:v5+s13+$0x0] =	vst.idx.add.f32.msk vm1, v3  }
0xa3: {  	v3 =	vld [tilespmem:s20+$0x20];
	_ =	sdelay $0x4  }
0xa4: {  	(xrf2) =	vadd.scan.msk.f32 $0xffff, v3  }
0xa5: {  	v4 =	vld [tilespmem:s20+$0x1029]  }
0xa6: {  	v5 =	vld [tilespmem:s20+$0x1028];
	_ =	sdelay $0x1  }
0xa7: {  	v6 =	vld [tilespmem:s20+$0x1027]  }
0xa8: {  	s24 =	spop (v2sf)  }
0xa9: {  	s23 =	sadd.f32 s24, s23  }
0xaa: {  	vm0 =	vne.s32 v5, v4;
	_ =	sdelay $0x1  }
0xab: {  	vm1 =	vne.s32 v5, v6  }
0xac: {  	v4, _, _ =	vpop (xrf2)  }
0xad: {  	v6 =	vadd.f32 s23, v4;
	(v2sf) =	vpush v4, $0xF;
	_ =	sdelay $0x1  }
0xae: {  	[tilespmem:v5+s13+$0x0] =	vst.idx.add.f32.msk vm0, v6;
	v3 =	vsub.f32 v3, v6;
	_ =	sdelay $0x1  }
0xaf: {  	[tilespmem:v5+s13+$0x0] =	vst.idx.add.f32.msk vm1, v3  }
0xb0: {  	v3 =	vld [tilespmem:s20+$0x30]  }
0xb1: {  	v4 =	vld [tilespmem:s20+$0x1038]  }
0xb2: {  	v5 =	vld [tilespmem:s20+$0x1039]  }
0xb3: {  	v6 =	vld [tilespmem:s20+$0x1037];
	_ =	sdelay $0x1  }
0xb4: {  	(xrf2) =	vadd.scan.msk.f32 $0xffff, v3;
	_ =	sdelay $0x1  }
0xb5: {  	vm0 =	vne.s32 v4, v5;
	_ =	sdelay $0x2  }
0xb6: {  	s24 =	spop (v2sf)  }
0xb7: {  	s23 =	sadd.f32 s24, s23;
	_ =	sdelay $0x2  }
0xb8: {  	vm1 =	vne.s32 v4, v6  }
0xb9: {  	v5, _, _ =	vpop (xrf2)  }
0xba: {  	v6 =	vadd.f32 s23, v5;
	(v2sf) =	vpush v5, $0xF;
	_ =	sdelay $0x1  }
0xbb: {  	[tilespmem:v4+s13+$0x0] =	vst.idx.add.f32.msk vm0, v6;
	v3 =	vsub.f32 v3, v6;
	_ =	sdelay $0x1  }
0xbc: {  	[tilespmem:v4+s13+$0x0] =	vst.idx.add.f32.msk vm1, v3  }
0xbd: {  	v3 =	vld [tilespmem:s20+$0x40]  }
0xbe: {  	v4 =	vld [tilespmem:s20+$0x1048]  }
0xbf: {  	v5 =	vld [tilespmem:s20+$0x1049]  }
0xc0: {  	v6 =	vld [tilespmem:s20+$0x1047];
	_ =	sdelay $0x1  }
0xc1: {  	(xrf2) =	vadd.scan.msk.f32 $0xffff, v3;
	_ =	sdelay $0x4  }
0xc2: {  	s20 =	spop (v2sf);
	_ =	sdelay $0x1  }
0xc3: {  	vm0 =	vne.s32 v4, v5;
	_ =	sdelay $0x1  }
0xc4: {  	vm1 =	vne.s32 v4, v6;
	s23 =	sadd.f32 s20, s23  }
0xc5: {  	v5, _, _ =	vpop (xrf2)  }
0xc6: {  	v6 =	vadd.f32 s23, v5;
	(v2sf) =	vpush v5, $0xF;
	_ =	sdelay $0x1  }
0xc7: {  	[tilespmem:v4+s13+$0x0] =	vst.idx.add.f32.msk vm0, v6;
	v3 =	vsub.f32 v3, v6;
	_ =	sdelay $0x1  }
0xc8: {  	s20 =	sshra.s32 s22, $0x2;
	[tilespmem:v4+s13+$0x0] =	vst.idx.add.f32.msk vm1, v3  }
0xc9: {  	v3 =	vld [tilespmem:s20+$0x0];
	_ =	sdelay $0x4  }
0xca: {  	(xrf2) =	vadd.scan.msk.f32 $0xffff, v3  }
.Ltmp3:
0xcb: {  	(pc) =	sbr.rel @p1 .LBB2_4-.Ltmp3, $4  }
0xcc: {  	v5 =	vld [tilespmem:s20+$0x1009]  }
0xcd: {  	v4 =	vld [tilespmem:s20+$0x1008]  }
0xce: {  	v6 =	vld [tilespmem:s20+$0x1007]  }
0xcf: {  	s22 =	spop (v2sf)  }
0xd0: {  	_ =	sdelay $0x1  }
0xd1: {  	vm0 =	vne.s32 v4, v5  }
0xd2: {  	s21 =	sadd.f32 s22, s23;
	vm1 =	vne.s32 v4, v6  }
0xd3: {  	v51, _, _ =	vpop (xrf2)  }
0xd4: {  	v52 =	vadd.f32 s21, v51;
	_ =	sdelay $0x1  }
0xd5: {  	v3 =	vsub.f32 v3, v52  }
0xd6: {  	(v2sf) =	vpush v51, $0xF;
	[tilespmem:v4+s13+$0x0] =	vst.idx.add.f32.msk vm0, v52  }
0xd7: {  	[tilespmem:v4+s13+$0x0] =	vst.idx.add.f32.msk vm1, v3  }
0xd8: {  	v3 =	vld [tilespmem:s20+$0x10];
	_ =	sdelay $0x4  }
0xd9: {  	(xrf2) =	vadd.scan.msk.f32 $0xffff, v3;
	_ =	sdelay $0x1  }
0xda: {  	v4 =	vld [tilespmem:s20+$0x1019]  }
0xdb: {  	v53 =	vld [tilespmem:s20+$0x1018]  }
0xdc: {  	v6 =	vld [tilespmem:s20+$0x1017];
	_ =	sdelay $0x3  }
0xdd: {  	vm8 =	vne.s32 v53, v4;
	s26 =	spop (v2sf)  }
0xde: {  	vm9 =	vne.s32 v53, v6;
	s21 =	sadd.f32 s26, s21  }
0xdf: {  	v54, _, _ =	vpop (xrf2)  }
0xe0: {  	v55 =	vadd.f32 s21, v54;
	_ =	sdelay $0x1  }
0xe1: {  	v3 =	vsub.f32 v3, v55  }
0xe2: {  	(v2sf) =	vpush v54, $0xF;
	[tilespmem:v53+s13+$0x0] =	vst.idx.add.f32.msk vm8, v55  }
0xe3: {  	[tilespmem:v53+s13+$0x0] =	vst.idx.add.f32.msk vm9, v3  }
0xe4: {  	v3 =	vld [tilespmem:s20+$0x20];
	_ =	sdelay $0x4  }
0xe5: {  	(xrf2) =	vadd.scan.msk.f32 $0xffff, v3;
	_ =	sdelay $0x1  }
0xe6: {  	v56 =	vld [tilespmem:s20+$0x1029]  }
0xe7: {  	v5 =	vld [tilespmem:s20+$0x1028]  }
0xe8: {  	v6 =	vld [tilespmem:s20+$0x1027];
	_ =	sdelay $0x3  }
0xe9: {  	vm10 =	vne.s32 v5, v56;
	s28 =	spop (v2sf)  }
0xea: {  	vm11 =	vne.s32 v5, v6;
	s21 =	sadd.f32 s28, s21  }
0xeb: {  	v57, _, _ =	vpop (xrf2)  }
0xec: {  	v58 =	vadd.f32 s21, v57;
	_ =	sdelay $0x1  }
0xed: {  	v3 =	vsub.f32 v3, v58  }
0xee: {  	(v2sf) =	vpush v57, $0xF;
	[tilespmem:v5+s13+$0x0] =	vst.idx.add.f32.msk vm10, v58  }
0xef: {  	[tilespmem:v5+s13+$0x0] =	vst.idx.add.f32.msk vm11, v3  }
0xf0: {  	v3 =	vld [tilespmem:s20+$0x30];
	_ =	sdelay $0x4  }
0xf1: {  	(xrf2) =	vadd.scan.msk.f32 $0xffff, v3;
	_ =	sdelay $0x1  }
0xf2: {  	v59 =	vld [tilespmem:s20+$0x1038]  }
0xf3: {  	v5 =	vld [tilespmem:s20+$0x1039]  }
0xf4: {  	v6 =	vld [tilespmem:s20+$0x1037];
	_ =	sdelay $0x3  }
0xf5: {  	vm12 =	vne.s32 v59, v5;
	s29 =	spop (v2sf)  }
0xf6: {  	vm13 =	vne.s32 v59, v6;
	s21 =	sadd.f32 s29, s21  }
0xf7: {  	v60, _, _ =	vpop (xrf2)  }
0xf8: {  	v61 =	vadd.f32 s21, v60;
	_ =	sdelay $0x1  }
0xf9: {  	v3 =	vsub.f32 v3, v61  }
0xfa: {  	[tilespmem:v59+s13+$0x0] =	vst.idx.add.f32.msk vm12, v61  }
0xfb: {  	[tilespmem:v59+s13+$0x0] =	vst.idx.add.f32.msk vm13, v3  }
0xfc: {  	v3 =	vld [tilespmem:s20+$0x40];
	_ =	sdelay $0x4  }
0xfd: {  	(xrf2) =	vadd.scan.msk.f32 $0xffff, v3;
	_ =	sdelay $0x1  }
0xfe: {  	(v2sf) =	vpush v60, $0xF;
	_ =	sdelay $0x7  }
0xff: {  	v62, _, _ =	vpop (xrf2)  }
0x100: {  	v63 =	vld [tilespmem:s20+$0x1048];
	(v2sf) =	vpush v62, $0xF  }
0x101: {  	v6 =	vld [tilespmem:s20+$0x1049]  }
0x102: {  	v7 =	vld [tilespmem:s20+$0x1047];
	_ =	sdelay $0x3  }
0x103: {  	vm14 =	vne.s32 v63, v6;
	s30 =	spop (v2sf)  }
0x104: {  	vm15 =	vne.s32 v63, v7;
	s20 =	sadd.f32 s30, s21;
	_ =	sdelay $0x1  }
0x105: {  	v4 =	vadd.f32 s20, v62;
	_ =	sdelay $0x1  }
0x106: {  	v3 =	vsub.f32 v3, v4  }
0x107: {  	[tilespmem:v63+s13+$0x0] =	vst.idx.add.f32.msk vm14, v4  }
0x108: {  	[tilespmem:v63+s13+$0x0] =	vst.idx.add.f32.msk vm15, v3  }
0x109: {  	[spmem:s5] =	stream.strided.scatter [tilespmem:s13], [sflag:$0x3], $0x400, s15, s14, $0x38;
	[tilespmem:$0x3080] =	vst v63  }
0x10a: {  	s31 =	spop (v2sf)  }
.Ltmp4:
0x10b: {  	_ =	swait.ge [sflag:s16], $0x400;
	(pc) =	sbr.rel @p0 .LBB2_9-.Ltmp4, $3  }
0x10c: {  	[sflag:s16] =	ssyncset.done $0x0  }
0x10d: {  	[sflag:s16] =	ssyncadd.s32 $0xFFFFFC00  }
0x10e: {  	[bflag:$0x0] =	sbarrier.arrive $0xFFFF;
	_ =	sdelay $0x1  }
0x10f: {  	[tilespmem:s17], [sflag:$0x3] =	stream.strided.gather [spmem:s6], $0x800, s13, s15, $0x38;
	[tilespmem:$0x3080] =	vst v63  }
0x110: {  	_ =	swait.ge [sflag:s16], $0x800  }
0x111: {  	[sflag:s16] =	ssyncset.done $0x0  }
0x112: {  	s21 =	simm.s32 $0x0;
	[sflag:s16] =	ssyncadd.s32 $0xFFFFF800  }
0x113: {  	v3 =	vld [tilespmem:s21+$0x2800]  }
0x114: {  	v4 =	vld [tilespmem:s21+$0x2880];
	_ =	sdelay $0x1  }
0x115: {  	v5 =	vld [tilespmem:s21+$0x2900];
	_ =	sdelay $0x1  }
0x116: {  	v6 =	vld [tilespmem:s21+$0x2980]  }
0x117: {  	v3 =	vadd.f32 v4, v3  }
0x118: {  	v4 =	vld [tilespmem:s21+$0x2A00]  }
0x119: {  	v3 =	vadd.f32 v5, v3  }
0x11a: {  	v5 =	vld [tilespmem:s21+$0x2A80]  }
0x11b: {  	v3 =	vadd.f32 v6, v3  }
0x11c: {  	v6 =	vld [tilespmem:s21+$0x2B00]  }
0x11d: {  	v3 =	vadd.f32 v4, v3  }
0x11e: {  	v4 =	vld [tilespmem:s21+$0x2B80]  }
0x11f: {  	s20 =	simm.s32 $0x10;
	v7 =	vld [tilespmem:s21+$0x2C00];
	v3 =	vadd.f32 v5, v3  }
0x120: {  	v8 =	vld [tilespmem:s20+$0x2800]  }
0x121: {  	v5 =	vld [tilespmem:s21+$0x2C80];
	v3 =	vadd.f32 v6, v3  }
0x122: {  	v6 =	vld [tilespmem:s20+$0x2880]  }
0x123: {  	v9 =	vld [tilespmem:s20+$0x2900];
	v3 =	vadd.f32 v4, v3  }
0x124: {  	v4 =	vld [tilespmem:s21+$0x2D00]  }
0x125: {  	v10 =	vld [tilespmem:s20+$0x2980];
	v3 =	vadd.f32 v7, v3  }
0x126: {  	v7 =	vld [tilespmem:s21+$0x2D80]  }
0x127: {  	v6 =	vadd.f32 v6, v8;
	v8 =	vld [tilespmem:s20+$0x2A00];
	v3 =	vadd.f32 v5, v3  }
0x128: {  	v5 =	vld [tilespmem:s21+$0x2E00]  }
0x129: {  	v6 =	vadd.f32 v9, v6;
	v9 =	vld [tilespmem:s20+$0x2A80];
	v3 =	vadd.f32 v4, v3  }
0x12a: {  	v4 =	vld [tilespmem:s21+$0x2E80]  }
0x12b: {  	v11 =	vld [tilespmem:s20+$0x2B00];
	v6 =	vadd.f32 v10, v6;
	v3 =	vadd.f32 v7, v3  }
0x12c: {  	v10 =	vld [tilespmem:s21+$0x2F00]  }
0x12d: {  	v7 =	vadd.f32 v8, v6;
	v6 =	vld [tilespmem:s20+$0x2B80];
	v8 =	vadd.f32 v5, v3  }
0x12e: {  	v5 =	vld [tilespmem:s21+$0x2F80]  }
0x12f: {  	v3 =	vld [tilespmem:s20+$0x2C80];
	v9 =	vadd.f32 v9, v7;
	v12 =	vadd.f32 v4, v8  }
0x130: {  	s22 =	simm.s32 $0x20;
	v7 =	vld [tilespmem:s20+$0x2C00]  }
0x131: {  	s23 =	simm.s32 $0xC0;
	v4 =	vld [tilespmem:s22+$0x2800];
	v8 =	vadd.f32 v11, v9;
	v9 =	vadd.f32 v10, v12  }
.LBB2_7:
0x132: {  	p1 =	sne.s32 s23, $0x1C0;
	v10 =	vld [tilespmem:s22+$0x2880]  }
0x133: {  	v6 =	vadd.f32 v6, v8;
	v5 =	vadd.f32 v5, v9;
	v8 =	vld [tilespmem:s20+$0x2D00]  }
0x134: {  	v9 =	vld [tilespmem:s22+$0x2900]  }
0x135: {  	v6 =	vadd.f32 v7, v6;
	v7 =	vld [tilespmem:s20+$0x2D80];
	[tilespmem:s21+$0x3000] =	vst v5;
	s21 =	smov.u32 s20;
	s20 =	smov.u32 s22  }
0x136: {  	v5 =	vld [tilespmem:s20+$0x2980]  }
0x137: {  	v3 =	vadd.f32 v3, v6;
	v4 =	vadd.f32 v10, v4;
	v6 =	vld [tilespmem:s21+$0x2E00]  }
0x138: {  	v10 =	vld [tilespmem:s20+$0x2A00]  }
0x139: {  	v3 =	vadd.f32 v8, v3;
	v4 =	vadd.f32 v9, v4;
	v8 =	vld [tilespmem:s21+$0x2E80]  }
0x13a: {  	v9 =	vld [tilespmem:s20+$0x2A80]  }
0x13b: {  	v3 =	vadd.f32 v7, v3;
	v4 =	vadd.f32 v5, v4;
	v11 =	vld [tilespmem:s21+$0x2F00]  }
0x13c: {  	v12 =	vld [tilespmem:s20+$0x2B00]  }
.Ltmp5:
0x13d: {  	v7 =	vadd.f32 v6, v3;
	v4 =	vadd.f32 v10, v4;
	v5 =	vld [tilespmem:s21+$0x2F80];
	(pc) =	sbr.rel @p1 .LBB2_7-.Ltmp5, $4  }
0x13e: {  	v6 =	vld [tilespmem:s20+$0x2B80]  }
0x13f: {  	v10 =	vadd.f32 v8, v7;
	v9 =	vadd.f32 v9, v4;
	v3 =	vld [tilespmem:s20+$0x2C80]  }
0x140: {  	s22 =	sshra.s32 s23, $0x2;
	v7 =	vld [tilespmem:s20+$0x2C00]  }
0x141: {  	s23 =	sadd.s32 $0x40, s23;
	v4 =	vld [tilespmem:s22+$0x2800];
	v8 =	vadd.f32 v12, v9;
	v9 =	vadd.f32 v11, v10  }
.Ltmp6:
0x142: {  	_ = 	snop;
	(pc) =	sbr.rel .LBB2_8-.Ltmp6, $1  }
0x143: {  	_ =	sdelay $0x3  }
.LBB2_10:
0x144: {  	_ =	sfence.sel $0x180000  }
0x145: {  	[bflag:$0x0] =	sbarrier.arrive $0xFFFF  }
0x146: {  	p0 =	sne.s32 s0, $0x0;
	_ =	strace $0x90000047  }
0x147: {  	s0 =	sadd.s32 @!p0 $0x100000, s1;
	[bflag:$0x2] =	sbarrier.arrive $0xFFFF  }
0x148: {  	[sflag:s0] =	ssyncadd.tile.s32 @!p0 $0x1;
	_ =	shalt  }
.Lfunc_end2:
_tile_overlayer_lowered:
.L_overlay_start_2:
0x149: {  	(tag) =	ssettag $0x2  }
0x14a: {  	s0 =	rddreg [dreg:$0x0];
	s2 =	stileid.u32  }
0x14b: {  	s1 =	rddreg [dreg:$0x1];
	p0 =	sne.s32 s2, $0x0  }
0x14c: {  	s3 =	rddreg [dreg:$0x2];
	[bflag:$0x3] =	sbarrier.arrive $0xFFFF;
	s2 =	simm.s32 @!p0 $0x1C03  }
0x14d: {  	[timem:s3], [sflag:s2] =	dma.local @!p0 [hbm:s0], s1  }
0x14e: {  	s0 =	simm.s32 @!p0 $0x3  }
0x14f: {  	_ =	swait.ge @!p0 [sflag:s0], s1  }
0x150: {  	s1 =	ssub.s32 @!p0 $0x0, s1;
	[sflag:s0] =	ssyncset.done @!p0 $0x0  }
0x151: {  	[sflag:s0] =	ssyncadd.s32 @!p0 s1  }
0x152: {  	[bflag:$0x3] =	sbarrier.arrive $0xFFFF  }
0x153: {  	_ =	shalt  }

</sc_bundles>
